<compile_context>
chip_gen: v7x
topology: tpu7x:2x2x1
jax: 0.10.2.dev20260603
libtpu: 0.0.44.dev20260713+nightly
codegen_flags: <defaults>
</compile_context>

<pallas_src>
import functools

import jax
import jax.numpy as jnp
from jax import lax
from jax.experimental import pallas as pl
from jax.experimental.pallas import tpu as pltpu
from jax.experimental.pallas import tpu_sc as plsc

D = 128
NC = 2
NS = 16
EB = 128
TR = 104
WB = 200


def _zero_acc(s, half, zeros_hbm, zero_v, acc_sh):
  zrows = (half + TR) // NS
  pltpu.sync_copy(zeros_hbm, zero_v)
  z0 = s * zrows
  for step in range(0, zrows, EB):
    blk = min(EB, zrows - step)
    pltpu.sync_copy(zero_v.at[pl.ds(0, blk)], acc_sh.at[pl.ds(z0 + step, blk)])


def _write_acc(c, s, half, out, acc_sh):
  wchunks = half // WB
  for k in range((wchunks + NS - 1) // NS):
    cid = s + NS * k

    @pl.when(cid < wchunks)
    def _():
      pltpu.sync_copy(acc_sh.at[pl.ds(cid * WB, WB)],
                      out.at[c, pl.ds(cid * WB, WB)])


def _deg_body(chunks, half, rdstr, ones_hbm, zeros_hbm, out,
              dst_v, ones_v, zero_v, acc_sh):
  c = lax.axis_index("c")
  s = lax.axis_index("s")

  _zero_acc(s, half, zeros_hbm, zero_v, acc_sh)
  pltpu.sync_copy(ones_hbm, ones_v)
  plsc.subcore_barrier()
  pltpu.sync_copy(rdstr.at[c, s], dst_v)

  @pl.loop(0, chunks)
  def _(j):
    pltpu.sync_copy(ones_v, acc_sh.at[dst_v.at[j]], add=True)

  plsc.subcore_barrier()
  _write_acc(c, s, half, out, acc_sh)


def _mp_body(chunks, half, yw, srcr, rdstr, zeros_hbm, out,
             src_v, dst_v, rows_v, zero_v, sem0, sem1, acc_sh):
  c = lax.axis_index("c")
  s = lax.axis_index("s")

  _zero_acc(s, half, zeros_hbm, zero_v, acc_sh)
  plsc.subcore_barrier()
  pltpu.sync_copy(srcr.at[s], src_v)
  pltpu.sync_copy(rdstr.at[c, s], dst_v)

  sems = (sem0, sem1)
  pltpu.make_async_copy(yw.at[src_v.at[0]], rows_v.at[0], sem0).start()

  @pl.loop(0, chunks, step=2)
  def _(j2):
    for b in range(2):
      j = j2 + b
      nb = 1 - b

      @pl.when(j + 1 < chunks)
      def _():
        pltpu.make_async_copy(yw.at[src_v.at[j + 1]], rows_v.at[nb],
                              sems[nb]).start()

      pltpu.make_async_copy(yw.at[src_v.at[j]], rows_v.at[b], sems[b]).wait()
      pltpu.sync_copy(rows_v.at[b], acc_sh.at[dst_v.at[j]], add=True)

  plsc.subcore_barrier()
  _write_acc(c, s, half, out, acc_sh)


def _remap_body(half, dst_ref, rd_ref):
  s = pl.program_id(0)
  d = dst_ref[0]
  for c in range(NC):
    loc = d - c * half
    m = (loc >= 0) & (loc < half)
    rd_ref[c, 0] = jnp.where(m, loc, half + 4 * s)


def _tc1_body(x_ref, w_ref, dm_ref, yw_ref):
  deg = dm_ref[:, 0:1] + 1.0
  dinv = lax.rsqrt(deg)
  xw = jnp.dot(x_ref[...], w_ref[...], preferred_element_type=jnp.float32)
  yw_ref[...] = xw * dinv


def _tc2_body(p_ref, yw_ref, dm_ref, b_ref, a_ref, o_ref):
  deg = dm_ref[:, 0:1] + 1.0
  dinv = lax.rsqrt(deg)
  t = (p_ref[...] + yw_ref[...]) * dinv + b_ref[...]
  o_ref[...] = jnp.where(t >= 0, t, t * a_ref[...])


def kernel(x, edge_index, W, b, prelu_a):
  n = x.shape[0]
  e = edge_index.shape[1]
  half = ((n + NC - 1) // NC + 7) // 8 * 8
  chunks = (e + NS * EB - 1) // (NS * EB)
  chunks += chunks % 2
  e_pad = NS * chunks * EB

  src = edge_index[0].astype(jnp.int32)
  dst = edge_index[1].astype(jnp.int32)
  spad = jnp.zeros((e_pad - e,), dtype=jnp.int32)
  dpad = jnp.full((e_pad - e,), -1, dtype=jnp.int32)
  srcr = jnp.concatenate([src, spad]).reshape(NS, chunks, EB)
  dstr = jnp.concatenate([dst, dpad]).reshape(NS, chunks, EB)

  mesh = plsc.VectorSubcoreMesh(core_axis_name="c", subcore_axis_name="s",
                                num_cores=NC, num_subcores=NS)

  rdstr = pl.pallas_call(
      functools.partial(_remap_body, half),
      grid=(NS,),
      in_specs=[pl.BlockSpec((1, chunks, EB), lambda s: (s, 0, 0))],
      out_specs=pl.BlockSpec((NC, 1, chunks, EB), lambda s: (0, s, 0, 0)),
      out_shape=jax.ShapeDtypeStruct((NC, NS, chunks, EB), jnp.int32),
  )(dstr)

  ones_big = jnp.ones((EB, D), jnp.float32)
  zeros_big = jnp.zeros((EB, D), jnp.float32)

  deg_k = pl.kernel(
      functools.partial(_deg_body, chunks, half),
      out_type=jax.ShapeDtypeStruct((NC, half, D), jnp.float32),
      mesh=mesh,
      scratch_types=[
          pltpu.VMEM((chunks, EB), jnp.int32),
          pltpu.VMEM((EB, D), jnp.float32),
          pltpu.VMEM((EB, D), jnp.float32),
          pltpu.VMEM_SHARED((half + TR, D), jnp.float32),
      ],
  )
  deg_mat = deg_k(rdstr, ones_big, zeros_big).reshape(NC * half, D)

  rb = 1000
  grid = n // rb
  yw = pl.pallas_call(
      _tc1_body,
      grid=(grid,),
      in_specs=[
          pl.BlockSpec((rb, D), lambda i: (i, 0)),
          pl.BlockSpec((D, D), lambda i: (0, 0)),
          pl.BlockSpec((rb, D), lambda i: (i, 0)),
      ],
      out_specs=pl.BlockSpec((rb, D), lambda i: (i, 0)),
      out_shape=jax.ShapeDtypeStruct((n, D), jnp.float32),
  )(x, W, deg_mat)

  mp = pl.kernel(
      functools.partial(_mp_body, chunks, half),
      out_type=jax.ShapeDtypeStruct((NC, half, D), jnp.float32),
      mesh=mesh,
      scratch_types=[
          pltpu.VMEM((chunks, EB), jnp.int32),
          pltpu.VMEM((chunks, EB), jnp.int32),
          pltpu.VMEM((2, EB, D), jnp.float32),
          pltpu.VMEM((EB, D), jnp.float32),
          pltpu.SemaphoreType.DMA,
          pltpu.SemaphoreType.DMA,
          pltpu.VMEM_SHARED((half + TR, D), jnp.float32),
      ],
  )
  p = mp(yw, srcr, rdstr, zeros_big).reshape(NC * half, D)

  out = pl.pallas_call(
      _tc2_body,
      grid=(grid,),
      in_specs=[
          pl.BlockSpec((rb, D), lambda i: (i, 0)),
          pl.BlockSpec((rb, D), lambda i: (i, 0)),
          pl.BlockSpec((rb, D), lambda i: (i, 0)),
          pl.BlockSpec((D,), lambda i: (0,)),
          pl.BlockSpec((D,), lambda i: (0,)),
      ],
      out_specs=pl.BlockSpec((rb, D), lambda i: (i, 0)),
      out_shape=jax.ShapeDtypeStruct((n, D), jnp.float32),
  )(p, yw, deg_mat, b, prelu_a)

  return out

# --- scband reference (transcript-rebuilt; emitter-appended) ---
"""Pipeline reference for scband-gcnlayer-49916109914170 (READ-ONLY COPY).

The authoritative reference and input builder live on the scoring server;
editing this copy changes nothing except your own understanding.
"""

import jax, jax.numpy as jnp
import numpy as np

N = 10000
E = 320000
D_IN = 128
D_OUT = 128


def setup_inputs(seed: int = 0) -> dict:
    key = jax.random.key(seed)
    k1, k2, k3 = jax.random.split(key, 3)
    x = jax.random.normal(k1, (N, D_IN), dtype=jnp.float32)
    edge_index = jax.random.randint(k2, (2, E), 0, N, dtype=jnp.int64)
    W = jax.random.normal(k3, (D_IN, D_OUT), dtype=jnp.float32) * 0.05
    b = jnp.zeros((D_OUT,), dtype=jnp.float32)
    prelu_a = jnp.full((D_OUT,), 0.25, dtype=jnp.float32)
    return {"x": x, "edge_index": edge_index, "W": W, "b": b, "prelu_a": prelu_a}


def reference(x, edge_index, W, b, prelu_a):
    # GCNConv with add_self_loops=True, symmetric normalization, then PReLU.
    src = edge_index[0]
    dst = edge_index[1]
    loop = jnp.arange(N, dtype=src.dtype)
    src = jnp.concatenate([src, loop])
    dst = jnp.concatenate([dst, loop])

    # linear transform first (as in PyG GCNConv)
    xw = x @ W

    # degree from destination nodes (edge weight 1, incl. self loops)
    ones = jnp.ones((src.shape[0],), dtype=jnp.float32)
    deg = jax.ops.segment_sum(ones, dst, num_segments=N)
    deg_inv_sqrt = jnp.where(deg > 0, deg ** -0.5, 0.0)
    norm = deg_inv_sqrt[src] * deg_inv_sqrt[dst]

    # gather messages, scale, scatter-add to destinations
    msg = jnp.take(xw, src, axis=0) * norm[:, None]
    out = jax.ops.segment_sum(msg, dst, num_segments=N) + b

    # PReLU with per-channel slope
    out = jnp.where(out >= 0, out, prelu_a[None, :] * out)
    return out

if __name__ == "__main__":
    import jax
    _d = setup_inputs()
    print(jax.jit(kernel)(*tuple(_d.values())))

</pallas_src>

<mosaic_0001>
#map = affine_map<(d0, d1) -> (0, 0, 0, 0)>
#map1 = affine_map<(d0, d1) -> (0, 0)>
#map2 = affine_map<(d0, d1) -> (0, 0, 0)>
module attributes {stable_mosaic.version = 14 : i64} {
  func.func @_deg_body(%arg0: i32, %arg1: i32, %arg2: memref<2x16x158x128xi32, #tpu.memory_space<hbm>>, %arg3: memref<128x128xf32, #tpu.memory_space<hbm>>, %arg4: memref<128x128xf32, #tpu.memory_space<hbm>>, %arg5: memref<2x5000x128xf32, #tpu.memory_space<hbm>>, %arg6: memref<158x128xi32, #tpu.memory_space<vmem>>, %arg7: memref<128x128xf32, #tpu.memory_space<vmem>>, %arg8: memref<128x128xf32, #tpu.memory_space<vmem>>, %arg9: memref<5104x128xf32, #tpu.memory_space<vmem_shared>>) attributes {dimension_semantics = [#tpu.dimension_semantics<core_parallel>, #tpu.dimension_semantics<subcore_parallel>], iteration_bounds = array<i64: 2, 16>, scalar_prefetch = 0 : i64, scratch_operands = 4 : i64, tpu.core_type = #tpu.core_type<sc_vector_subcore>, window_params = [{transform_indices = #map}, {transform_indices = #map1}, {transform_indices = #map1}, {transform_indices = #map2}]} {
    "tpu.region"() ({
      %run_scoped3A = tpu.sem_alloc : memref<!tpu.dma_semaphore, #tpu.memory_space<semaphore_mem>>
      tpu.enqueue_dma source(%arg4 : memref<128x128xf32, #tpu.memory_space<hbm>>) target(%arg8 : memref<128x128xf32, #tpu.memory_space<vmem>>) target_semaphore(%run_scoped3A : memref<!tpu.dma_semaphore, #tpu.memory_space<semaphore_mem>>)
      tpu.wait_dma2 semaphore(%run_scoped3A : memref<!tpu.dma_semaphore, #tpu.memory_space<semaphore_mem>>) src(%arg4 : memref<128x128xf32, #tpu.memory_space<hbm>>) dst(%arg8 : memref<128x128xf32, #tpu.memory_space<vmem>>)
      tpu.yield
    }) : () -> ()
    %mul3A = arith.constant 319 : i32
    %mul3A_0 = arith.muli %arg1, %mul3A : i32
    %add3A = arith.constant 0 : i32
    %add3A_1 = arith.addi %mul3A_0, %add3A : i32
    "tpu.region"() ({
      %run_scoped3A = tpu.sem_alloc : memref<!tpu.dma_semaphore, #tpu.memory_space<semaphore_mem>>
      %dma_start3A = arith.constant 0 : i32
      %dma_start3A_22 = arith.constant 0 : i32
      %dma_start3A_23 = tpu.memref_slice %arg8[%dma_start3A, %dma_start3A_22] : memref<128x128xf32, #tpu.memory_space<vmem>> -> memref<128x128xf32, #tpu.memory_space<vmem>>
      %dma_start3A_24 = arith.constant 0 : i32
      %dma_start3A_25 = tpu.memref_slice %arg9[%add3A_1, %dma_start3A_24] : memref<5104x128xf32, #tpu.memory_space<vmem_shared>> -> memref<128x128xf32, #tpu.memory_space<vmem_shared>>
      %dma_start3A_26 = arith.constant 0 : i32
      %dma_start3A_27 = tpu.memref_slice %arg9[%add3A_1, %dma_start3A_26] : memref<5104x128xf32, #tpu.memory_space<vmem_shared>> -> memref<128x128xf32, #tpu.memory_space<vmem_shared>>
      %dma_start3A_28 = arith.constant 0 : i32
      %dma_start3A_29 = arith.constant 0 : i32
      %dma_start3A_30 = tpu.memref_slice %arg8[%dma_start3A_28, %dma_start3A_29] : memref<128x128xf32, #tpu.memory_space<vmem>> -> memref<128x128xf32, #tpu.memory_space<vmem>>
      tpu.enqueue_dma source(%dma_start3A_30 : memref<128x128xf32, #tpu.memory_space<vmem>>) target(%dma_start3A_27 : memref<128x128xf32, #tpu.memory_space<vmem_shared>>) target_semaphore(%run_scoped3A : memref<!tpu.dma_semaphore, #tpu.memory_space<semaphore_mem>>)
      %dma_wait3A = arith.constant 0 : i32
      %dma_wait3A_31 = arith.constant 0 : i32
      %dma_wait3A_32 = tpu.memref_slice %arg8[%dma_wait3A, %dma_wait3A_31] : memref<128x128xf32, #tpu.memory_space<vmem>> -> memref<128x128xf32, #tpu.memory_space<vmem>>
      %dma_wait3A_33 = arith.constant 0 : i32
      %dma_wait3A_34 = tpu.memref_slice %arg9[%add3A_1, %dma_wait3A_33] : memref<5104x128xf32, #tpu.memory_space<vmem_shared>> -> memref<128x128xf32, #tpu.memory_space<vmem_shared>>
      %dma_wait3A_35 = arith.constant 0 : i32
      %dma_wait3A_36 = tpu.memref_slice %arg9[%add3A_1, %dma_wait3A_35] : memref<5104x128xf32, #tpu.memory_space<vmem_shared>> -> memref<128x128xf32, #tpu.memory_space<vmem_shared>>
      %dma_wait3A_37 = arith.constant 0 : i32
      %dma_wait3A_38 = arith.constant 0 : i32
      %dma_wait3A_39 = tpu.memref_slice %arg8[%dma_wait3A_37, %dma_wait3A_38] : memref<128x128xf32, #tpu.memory_space<vmem>> -> memref<128x128xf32, #tpu.memory_space<vmem>>
      tpu.wait_dma2 semaphore(%run_scoped3A : memref<!tpu.dma_semaphore, #tpu.memory_space<semaphore_mem>>) src(%dma_wait3A_39 : memref<128x128xf32, #tpu.memory_space<vmem>>) dst(%dma_wait3A_36 : memref<128x128xf32, #tpu.memory_space<vmem_shared>>)
      tpu.yield
    }) : () -> ()
    %add3A_2 = arith.constant 128 : i32
    %add3A_3 = arith.addi %mul3A_0, %add3A_2 : i32
    "tpu.region"() ({
      %run_scoped3A = tpu.sem_alloc : memref<!tpu.dma_semaphore, #tpu.memory_space<semaphore_mem>>
      %dma_start3A = arith.constant 0 : i32
      %dma_start3A_22 = arith.constant 0 : i32
      %dma_start3A_23 = tpu.memref_slice %arg8[%dma_start3A, %dma_start3A_22] : memref<128x128xf32, #tpu.memory_space<vmem>> -> memref<128x128xf32, #tpu.memory_space<vmem>>
      %dma_start3A_24 = arith.constant 0 : i32
      %dma_start3A_25 = tpu.memref_slice %arg9[%add3A_3, %dma_start3A_24] : memref<5104x128xf32, #tpu.memory_space<vmem_shared>> -> memref<128x128xf32, #tpu.memory_space<vmem_shared>>
      %dma_start3A_26 = arith.constant 0 : i32
      %dma_start3A_27 = tpu.memref_slice %arg9[%add3A_3, %dma_start3A_26] : memref<5104x128xf32, #tpu.memory_space<vmem_shared>> -> memref<128x128xf32, #tpu.memory_space<vmem_shared>>
      %dma_start3A_28 = arith.constant 0 : i32
      %dma_start3A_29 = arith.constant 0 : i32
      %dma_start3A_30 = tpu.memref_slice %arg8[%dma_start3A_28, %dma_start3A_29] : memref<128x128xf32, #tpu.memory_space<vmem>> -> memref<128x128xf32, #tpu.memory_space<vmem>>
      tpu.enqueue_dma source(%dma_start3A_30 : memref<128x128xf32, #tpu.memory_space<vmem>>) target(%dma_start3A_27 : memref<128x128xf32, #tpu.memory_space<vmem_shared>>) target_semaphore(%run_scoped3A : memref<!tpu.dma_semaphore, #tpu.memory_space<semaphore_mem>>)
      %dma_wait3A = arith.constant 0 : i32
      %dma_wait3A_31 = arith.constant 0 : i32
      %dma_wait3A_32 = tpu.memref_slice %arg8[%dma_wait3A, %dma_wait3A_31] : memref<128x128xf32, #tpu.memory_space<vmem>> -> memref<128x128xf32, #tpu.memory_space<vmem>>
      %dma_wait3A_33 = arith.constant 0 : i32
      %dma_wait3A_34 = tpu.memref_slice %arg9[%add3A_3, %dma_wait3A_33] : memref<5104x128xf32, #tpu.memory_space<vmem_shared>> -> memref<128x128xf32, #tpu.memory_space<vmem_shared>>
      %dma_wait3A_35 = arith.constant 0 : i32
      %dma_wait3A_36 = tpu.memref_slice %arg9[%add3A_3, %dma_wait3A_35] : memref<5104x128xf32, #tpu.memory_space<vmem_shared>> -> memref<128x128xf32, #tpu.memory_space<vmem_shared>>
      %dma_wait3A_37 = arith.constant 0 : i32
      %dma_wait3A_38 = arith.constant 0 : i32
      %dma_wait3A_39 = tpu.memref_slice %arg8[%dma_wait3A_37, %dma_wait3A_38] : memref<128x128xf32, #tpu.memory_space<vmem>> -> memref<128x128xf32, #tpu.memory_space<vmem>>
      tpu.wait_dma2 semaphore(%run_scoped3A : memref<!tpu.dma_semaphore, #tpu.memory_space<semaphore_mem>>) src(%dma_wait3A_39 : memref<128x128xf32, #tpu.memory_space<vmem>>) dst(%dma_wait3A_36 : memref<128x128xf32, #tpu.memory_space<vmem_shared>>)
      tpu.yield
    }) : () -> ()
    %add3A_4 = arith.constant 256 : i32
    %add3A_5 = arith.addi %mul3A_0, %add3A_4 : i32
    "tpu.region"() ({
      %run_scoped3A = tpu.sem_alloc : memref<!tpu.dma_semaphore, #tpu.memory_space<semaphore_mem>>
      %dma_start3A = arith.constant 0 : i32
      %dma_start3A_22 = arith.constant 0 : i32
      %dma_start3A_23 = tpu.memref_slice %arg8[%dma_start3A, %dma_start3A_22] : memref<128x128xf32, #tpu.memory_space<vmem>> -> memref<63x128xf32, #tpu.memory_space<vmem>>
      %dma_start3A_24 = arith.constant 0 : i32
      %dma_start3A_25 = tpu.memref_slice %arg9[%add3A_5, %dma_start3A_24] : memref<5104x128xf32, #tpu.memory_space<vmem_shared>> -> memref<63x128xf32, #tpu.memory_space<vmem_shared>>
      %dma_start3A_26 = arith.constant 0 : i32
      %dma_start3A_27 = tpu.memref_slice %arg9[%add3A_5, %dma_start3A_26] : memref<5104x128xf32, #tpu.memory_space<vmem_shared>> -> memref<63x128xf32, #tpu.memory_space<vmem_shared>>
      %dma_start3A_28 = arith.constant 0 : i32
      %dma_start3A_29 = arith.constant 0 : i32
      %dma_start3A_30 = tpu.memref_slice %arg8[%dma_start3A_28, %dma_start3A_29] : memref<128x128xf32, #tpu.memory_space<vmem>> -> memref<63x128xf32, #tpu.memory_space<vmem>>
      tpu.enqueue_dma source(%dma_start3A_30 : memref<63x128xf32, #tpu.memory_space<vmem>>) target(%dma_start3A_27 : memref<63x128xf32, #tpu.memory_space<vmem_shared>>) target_semaphore(%run_scoped3A : memref<!tpu.dma_semaphore, #tpu.memory_space<semaphore_mem>>)
      %dma_wait3A = arith.constant 0 : i32
      %dma_wait3A_31 = arith.constant 0 : i32
      %dma_wait3A_32 = tpu.memref_slice %arg8[%dma_wait3A, %dma_wait3A_31] : memref<128x128xf32, #tpu.memory_space<vmem>> -> memref<63x128xf32, #tpu.memory_space<vmem>>
      %dma_wait3A_33 = arith.constant 0 : i32
      %dma_wait3A_34 = tpu.memref_slice %arg9[%add3A_5, %dma_wait3A_33] : memref<5104x128xf32, #tpu.memory_space<vmem_shared>> -> memref<63x128xf32, #tpu.memory_space<vmem_shared>>
      %dma_wait3A_35 = arith.constant 0 : i32
      %dma_wait3A_36 = tpu.memref_slice %arg9[%add3A_5, %dma_wait3A_35] : memref<5104x128xf32, #tpu.memory_space<vmem_shared>> -> memref<63x128xf32, #tpu.memory_space<vmem_shared>>
      %dma_wait3A_37 = arith.constant 0 : i32
      %dma_wait3A_38 = arith.constant 0 : i32
      %dma_wait3A_39 = tpu.memref_slice %arg8[%dma_wait3A_37, %dma_wait3A_38] : memref<128x128xf32, #tpu.memory_space<vmem>> -> memref<63x128xf32, #tpu.memory_space<vmem>>
      tpu.wait_dma2 semaphore(%run_scoped3A : memref<!tpu.dma_semaphore, #tpu.memory_space<semaphore_mem>>) src(%dma_wait3A_39 : memref<63x128xf32, #tpu.memory_space<vmem>>) dst(%dma_wait3A_36 : memref<63x128xf32, #tpu.memory_space<vmem_shared>>)
      tpu.yield
    }) : () -> ()
    "tpu.region"() ({
      %run_scoped3A = tpu.sem_alloc : memref<!tpu.dma_semaphore, #tpu.memory_space<semaphore_mem>>
      tpu.enqueue_dma source(%arg3 : memref<128x128xf32, #tpu.memory_space<hbm>>) target(%arg7 : memref<128x128xf32, #tpu.memory_space<vmem>>) target_semaphore(%run_scoped3A : memref<!tpu.dma_semaphore, #tpu.memory_space<semaphore_mem>>)
      tpu.wait_dma2 semaphore(%run_scoped3A : memref<!tpu.dma_semaphore, #tpu.memory_space<semaphore_mem>>) src(%arg3 : memref<128x128xf32, #tpu.memory_space<hbm>>) dst(%arg7 : memref<128x128xf32, #tpu.memory_space<vmem>>)
      tpu.yield
    }) : () -> ()
    %barrier3A = arith.constant 0 : index
    tpu.barrier barrier_id(%barrier3A)
    "tpu.region"() ({
      %run_scoped3A = tpu.sem_alloc : memref<!tpu.dma_semaphore, #tpu.memory_space<semaphore_mem>>
      %dma_start3A = arith.constant 0 : i32
      %dma_start3A_22 = arith.constant 0 : i32
      %dma_start3A_23 = tpu.memref_slice %arg2[%arg0, %arg1, %dma_start3A, %dma_start3A_22] : memref<2x16x158x128xi32, #tpu.memory_space<hbm>> -> memref<1x1x158x128xi32, #tpu.memory_space<hbm>>
      %dma_start3A_24 = tpu.memref_squeeze %dma_start3A_23 : memref<1x1x158x128xi32, #tpu.memory_space<hbm>> -> memref<158x128xi32, #tpu.memory_space<hbm>>
      %dma_start3A_25 = arith.constant 0 : i32
      %dma_start3A_26 = arith.constant 0 : i32
      %dma_start3A_27 = tpu.memref_slice %arg2[%arg0, %arg1, %dma_start3A_25, %dma_start3A_26] : memref<2x16x158x128xi32, #tpu.memory_space<hbm>> -> memref<1x1x158x128xi32, #tpu.memory_space<hbm>>
      %dma_start3A_28 = tpu.memref_squeeze %dma_start3A_27 : memref<1x1x158x128xi32, #tpu.memory_space<hbm>> -> memref<158x128xi32, #tpu.memory_space<hbm>>
      tpu.enqueue_dma source(%dma_start3A_28 : memref<158x128xi32, #tpu.memory_space<hbm>>) target(%arg6 : memref<158x128xi32, #tpu.memory_space<vmem>>) target_semaphore(%run_scoped3A : memref<!tpu.dma_semaphore, #tpu.memory_space<semaphore_mem>>)
      %dma_wait3A = arith.constant 0 : i32
      %dma_wait3A_29 = arith.constant 0 : i32
      %dma_wait3A_30 = tpu.memref_slice %arg2[%arg0, %arg1, %dma_wait3A, %dma_wait3A_29] : memref<2x16x158x128xi32, #tpu.memory_space<hbm>> -> memref<1x1x158x128xi32, #tpu.memory_space<hbm>>
      %dma_wait3A_31 = tpu.memref_squeeze %dma_wait3A_30 : memref<1x1x158x128xi32, #tpu.memory_space<hbm>> -> memref<158x128xi32, #tpu.memory_space<hbm>>
      %dma_wait3A_32 = arith.constant 0 : i32
      %dma_wait3A_33 = arith.constant 0 : i32
      %dma_wait3A_34 = tpu.memref_slice %arg2[%arg0, %arg1, %dma_wait3A_32, %dma_wait3A_33] : memref<2x16x158x128xi32, #tpu.memory_space<hbm>> -> memref<1x1x158x128xi32, #tpu.memory_space<hbm>>
      %dma_wait3A_35 = tpu.memref_squeeze %dma_wait3A_34 : memref<1x1x158x128xi32, #tpu.memory_space<hbm>> -> memref<158x128xi32, #tpu.memory_space<hbm>>
      tpu.wait_dma2 semaphore(%run_scoped3A : memref<!tpu.dma_semaphore, #tpu.memory_space<semaphore_mem>>) src(%dma_wait3A_35 : memref<158x128xi32, #tpu.memory_space<hbm>>) dst(%arg6 : memref<158x128xi32, #tpu.memory_space<vmem>>)
      tpu.yield
    }) : () -> ()
    %scan3A = arith.constant 0 : i32
    %scan3A_6 = arith.constant 158 : i32
    %scan3A_7 = arith.addi %scan3A, %scan3A_6 : i32
    %scan3A_8 = arith.constant 1 : i32
    scf.for %scan3A_22 = %scan3A to %scan3A_7 step %scan3A_8  : i32 {
      %mul3A_23 = arith.constant 1 : i32
      %mul3A_24 = arith.muli %scan3A_22, %mul3A_23 : i32
      %add3A_25 = arith.constant 0 : i32
      %add3A_26 = arith.addi %add3A_25, %mul3A_24 : i32
      "tpu.region"() ({
        %run_scoped3A = tpu.sem_alloc : memref<!tpu.dma_semaphore, #tpu.memory_space<semaphore_mem>>
        %dma_start3A = arith.constant 0 : i32
        %dma_start3A_27 = tpu.memref_slice %arg6[%add3A_26, %dma_start3A] : memref<158x128xi32, #tpu.memory_space<vmem>> -> memref<1x128xi32, #tpu.memory_space<vmem>>
        %dma_start3A_28 = tpu.memref_squeeze %dma_start3A_27 : memref<1x128xi32, #tpu.memory_space<vmem>> -> memref<128xi32, #tpu.memory_space<vmem>>
        %dma_start3A_29 = arith.constant 0 : i32
        %dma_start3A_30 = arith.constant 0 : i32
        %dma_start3A_31 = tpu.memref_slice %arg9[%dma_start3A_29, %dma_start3A_30] : memref<5104x128xf32, #tpu.memory_space<vmem_shared>> -> memref<5104x128xf32, #tpu.memory_space<vmem_shared>>
        tpu.enqueue_indirect_dma source(%arg7 : memref<128x128xf32, #tpu.memory_space<vmem>>) target(%dma_start3A_31 : memref<5104x128xf32, #tpu.memory_space<vmem_shared>>) offsets(%dma_start3A_28 : memref<128xi32, #tpu.memory_space<vmem>>) semaphore(%run_scoped3A : memref<!tpu.dma_semaphore, #tpu.memory_space<semaphore_mem>>) {add = true}
        %dma_wait3A = arith.constant 0 : i32
        %dma_wait3A_32 = tpu.memref_slice %arg6[%add3A_26, %dma_wait3A] : memref<158x128xi32, #tpu.memory_space<vmem>> -> memref<1x128xi32, #tpu.memory_space<vmem>>
        %dma_wait3A_33 = tpu.memref_squeeze %dma_wait3A_32 : memref<1x128xi32, #tpu.memory_space<vmem>> -> memref<128xi32, #tpu.memory_space<vmem>>
        %dma_wait3A_34 = arith.constant 0 : i32
        %dma_wait3A_35 = arith.constant 0 : i32
        %dma_wait3A_36 = tpu.memref_slice %arg9[%dma_wait3A_34, %dma_wait3A_35] : memref<5104x128xf32, #tpu.memory_space<vmem_shared>> -> memref<5104x128xf32, #tpu.memory_space<vmem_shared>>
        tpu.wait_indirect_dma semaphore(%run_scoped3A : memref<!tpu.dma_semaphore, #tpu.memory_space<semaphore_mem>>) src(%arg7 : memref<128x128xf32, #tpu.memory_space<vmem>>) dst(%dma_wait3A_36 : memref<5104x128xf32, #tpu.memory_space<vmem_shared>>)
        tpu.yield
      }) : () -> ()
    }
    %scan3A_9 = arith.constant 158 : i32
    %barrier3A_10 = arith.constant 0 : index
    tpu.barrier barrier_id(%barrier3A_10)
    %add3A_11 = arith.constant 0 : i32
    %add3A_12 = arith.addi %arg1, %add3A_11 : i32
    %lt3A = arith.constant 25 : i32
    %lt3A_13 = arith.cmpi slt, %add3A_12, %lt3A : i32
    %convert_element_type3A = arith.extui %lt3A_13 : i1 to i32
    %cond3A = arith.constant 0 : i32
    %cond3A_14 = arith.cmpi ne, %convert_element_type3A, %cond3A : i32
    scf.if %cond3A_14 {
      %mul3A_22 = arith.constant 200 : i32
      %mul3A_23 = arith.muli %add3A_12, %mul3A_22 : i32
      %mul3A_24 = arith.constant 200 : i32
      %mul3A_25 = arith.muli %add3A_12, %mul3A_24 : i32
      "tpu.region"() ({
        %run_scoped3A = tpu.sem_alloc : memref<!tpu.dma_semaphore, #tpu.memory_space<semaphore_mem>>
        %dma_start3A = arith.constant 0 : i32
        %dma_start3A_26 = tpu.memref_slice %arg5[%arg0, %mul3A_25, %dma_start3A] : memref<2x5000x128xf32, #tpu.memory_space<hbm>> -> memref<1x200x128xf32, #tpu.memory_space<hbm>>
        %dma_start3A_27 = tpu.memref_squeeze %dma_start3A_26 : memref<1x200x128xf32, #tpu.memory_space<hbm>> -> memref<200x128xf32, #tpu.memory_space<hbm>>
        %dma_start3A_28 = arith.constant 0 : i32
        %dma_start3A_29 = tpu.memref_slice %arg9[%mul3A_23, %dma_start3A_28] : memref<5104x128xf32, #tpu.memory_space<vmem_shared>> -> memref<200x128xf32, #tpu.memory_space<vmem_shared>>
        tpu.enqueue_dma source(%dma_start3A_29 : memref<200x128xf32, #tpu.memory_space<vmem_shared>>) target(%dma_start3A_27 : memref<200x128xf32, #tpu.memory_space<hbm>>) target_semaphore(%run_scoped3A : memref<!tpu.dma_semaphore, #tpu.memory_space<semaphore_mem>>)
        %dma_wait3A = arith.constant 0 : i32
        %dma_wait3A_30 = tpu.memref_slice %arg5[%arg0, %mul3A_25, %dma_wait3A] : memref<2x5000x128xf32, #tpu.memory_space<hbm>> -> memref<1x200x128xf32, #tpu.memory_space<hbm>>
        %dma_wait3A_31 = tpu.memref_squeeze %dma_wait3A_30 : memref<1x200x128xf32, #tpu.memory_space<hbm>> -> memref<200x128xf32, #tpu.memory_space<hbm>>
        %dma_wait3A_32 = arith.constant 0 : i32
        %dma_wait3A_33 = tpu.memref_slice %arg9[%mul3A_23, %dma_wait3A_32] : memref<5104x128xf32, #tpu.memory_space<vmem_shared>> -> memref<200x128xf32, #tpu.memory_space<vmem_shared>>
        tpu.wait_dma2 semaphore(%run_scoped3A : memref<!tpu.dma_semaphore, #tpu.memory_space<semaphore_mem>>) src(%dma_wait3A_33 : memref<200x128xf32, #tpu.memory_space<vmem_shared>>) dst(%dma_wait3A_31 : memref<200x128xf32, #tpu.memory_space<hbm>>)
        tpu.yield
      }) : () -> ()
    } else {
    }
    %add3A_15 = arith.constant 16 : i32
    %add3A_16 = arith.addi %arg1, %add3A_15 : i32
    %lt3A_17 = arith.constant 25 : i32
    %lt3A_18 = arith.cmpi slt, %add3A_16, %lt3A_17 : i32
    %convert_element_type3A_19 = arith.extui %lt3A_18 : i1 to i32
    %cond3A_20 = arith.constant 0 : i32
    %cond3A_21 = arith.cmpi ne, %convert_element_type3A_19, %cond3A_20 : i32
    scf.if %cond3A_21 {
      %mul3A_22 = arith.constant 200 : i32
      %mul3A_23 = arith.muli %add3A_16, %mul3A_22 : i32
      %mul3A_24 = arith.constant 200 : i32
      %mul3A_25 = arith.muli %add3A_16, %mul3A_24 : i32
      "tpu.region"() ({
        %run_scoped3A = tpu.sem_alloc : memref<!tpu.dma_semaphore, #tpu.memory_space<semaphore_mem>>
        %dma_start3A = arith.constant 0 : i32
        %dma_start3A_26 = tpu.memref_slice %arg5[%arg0, %mul3A_25, %dma_start3A] : memref<2x5000x128xf32, #tpu.memory_space<hbm>> -> memref<1x200x128xf32, #tpu.memory_space<hbm>>
        %dma_start3A_27 = tpu.memref_squeeze %dma_start3A_26 : memref<1x200x128xf32, #tpu.memory_space<hbm>> -> memref<200x128xf32, #tpu.memory_space<hbm>>
        %dma_start3A_28 = arith.constant 0 : i32
        %dma_start3A_29 = tpu.memref_slice %arg9[%mul3A_23, %dma_start3A_28] : memref<5104x128xf32, #tpu.memory_space<vmem_shared>> -> memref<200x128xf32, #tpu.memory_space<vmem_shared>>
        tpu.enqueue_dma source(%dma_start3A_29 : memref<200x128xf32, #tpu.memory_space<vmem_shared>>) target(%dma_start3A_27 : memref<200x128xf32, #tpu.memory_space<hbm>>) target_semaphore(%run_scoped3A : memref<!tpu.dma_semaphore, #tpu.memory_space<semaphore_mem>>)
        %dma_wait3A = arith.constant 0 : i32
        %dma_wait3A_30 = tpu.memref_slice %arg5[%arg0, %mul3A_25, %dma_wait3A] : memref<2x5000x128xf32, #tpu.memory_space<hbm>> -> memref<1x200x128xf32, #tpu.memory_space<hbm>>
        %dma_wait3A_31 = tpu.memref_squeeze %dma_wait3A_30 : memref<1x200x128xf32, #tpu.memory_space<hbm>> -> memref<200x128xf32, #tpu.memory_space<hbm>>
        %dma_wait3A_32 = arith.constant 0 : i32
        %dma_wait3A_33 = tpu.memref_slice %arg9[%mul3A_23, %dma_wait3A_32] : memref<5104x128xf32, #tpu.memory_space<vmem_shared>> -> memref<200x128xf32, #tpu.memory_space<vmem_shared>>
        tpu.wait_dma2 semaphore(%run_scoped3A : memref<!tpu.dma_semaphore, #tpu.memory_space<semaphore_mem>>) src(%dma_wait3A_33 : memref<200x128xf32, #tpu.memory_space<vmem_shared>>) dst(%dma_wait3A_31 : memref<200x128xf32, #tpu.memory_space<hbm>>)
        tpu.yield
      }) : () -> ()
    } else {
    }
    return
  }
}

#map = affine_map<(d0, d1) -> (0, 0)>
#map1 = affine_map<(d0, d1) -> (0, 0, 0)>
#map2 = affine_map<(d0, d1) -> (0, 0, 0, 0)>
module attributes {stable_mosaic.version = 14 : i64} {
  func.func @_mp_body(%arg0: i32, %arg1: i32, %arg2: memref<10000x128xf32, #tpu.memory_space<hbm>>, %arg3: memref<16x158x128xi32, #tpu.memory_space<hbm>>, %arg4: memref<2x16x158x128xi32, #tpu.memory_space<hbm>>, %arg5: memref<128x128xf32, #tpu.memory_space<hbm>>, %arg6: memref<2x5000x128xf32, #tpu.memory_space<hbm>>, %arg7: memref<158x128xi32, #tpu.memory_space<vmem>>, %arg8: memref<158x128xi32, #tpu.memory_space<vmem>>, %arg9: memref<2x128x128xf32, #tpu.memory_space<vmem>>, %arg10: memref<128x128xf32, #tpu.memory_space<vmem>>, %arg11: memref<!tpu.dma_semaphore, #tpu.memory_space<semaphore_mem>>, %arg12: memref<!tpu.dma_semaphore, #tpu.memory_space<semaphore_mem>>, %arg13: memref<5104x128xf32, #tpu.memory_space<vmem_shared>>) attributes {dimension_semantics = [#tpu.dimension_semantics<core_parallel>, #tpu.dimension_semantics<subcore_parallel>], iteration_bounds = array<i64: 2, 16>, scalar_prefetch = 0 : i64, scratch_operands = 7 : i64, tpu.core_type = #tpu.core_type<sc_vector_subcore>, window_params = [{transform_indices = #map}, {transform_indices = #map1}, {transform_indices = #map2}, {transform_indices = #map}, {transform_indices = #map1}]} {
    "tpu.region"() ({
      %run_scoped3A = tpu.sem_alloc : memref<!tpu.dma_semaphore, #tpu.memory_space<semaphore_mem>>
      tpu.enqueue_dma source(%arg5 : memref<128x128xf32, #tpu.memory_space<hbm>>) target(%arg10 : memref<128x128xf32, #tpu.memory_space<vmem>>) target_semaphore(%run_scoped3A : memref<!tpu.dma_semaphore, #tpu.memory_space<semaphore_mem>>)
      tpu.wait_dma2 semaphore(%run_scoped3A : memref<!tpu.dma_semaphore, #tpu.memory_space<semaphore_mem>>) src(%arg5 : memref<128x128xf32, #tpu.memory_space<hbm>>) dst(%arg10 : memref<128x128xf32, #tpu.memory_space<vmem>>)
      tpu.yield
    }) : () -> ()
    %mul3A = arith.constant 319 : i32
    %mul3A_0 = arith.muli %arg1, %mul3A : i32
    %add3A = arith.constant 0 : i32
    %add3A_1 = arith.addi %mul3A_0, %add3A : i32
    "tpu.region"() ({
      %run_scoped3A = tpu.sem_alloc : memref<!tpu.dma_semaphore, #tpu.memory_space<semaphore_mem>>
      %dma_start3A_33 = arith.constant 0 : i32
      %dma_start3A_34 = arith.constant 0 : i32
      %dma_start3A_35 = tpu.memref_slice %arg10[%dma_start3A_33, %dma_start3A_34] : memref<128x128xf32, #tpu.memory_space<vmem>> -> memref<128x128xf32, #tpu.memory_space<vmem>>
      %dma_start3A_36 = arith.constant 0 : i32
      %dma_start3A_37 = tpu.memref_slice %arg13[%add3A_1, %dma_start3A_36] : memref<5104x128xf32, #tpu.memory_space<vmem_shared>> -> memref<128x128xf32, #tpu.memory_space<vmem_shared>>
      %dma_start3A_38 = arith.constant 0 : i32
      %dma_start3A_39 = tpu.memref_slice %arg13[%add3A_1, %dma_start3A_38] : memref<5104x128xf32, #tpu.memory_space<vmem_shared>> -> memref<128x128xf32, #tpu.memory_space<vmem_shared>>
      %dma_start3A_40 = arith.constant 0 : i32
      %dma_start3A_41 = arith.constant 0 : i32
      %dma_start3A_42 = tpu.memref_slice %arg10[%dma_start3A_40, %dma_start3A_41] : memref<128x128xf32, #tpu.memory_space<vmem>> -> memref<128x128xf32, #tpu.memory_space<vmem>>
      tpu.enqueue_dma source(%dma_start3A_42 : memref<128x128xf32, #tpu.memory_space<vmem>>) target(%dma_start3A_39 : memref<128x128xf32, #tpu.memory_space<vmem_shared>>) target_semaphore(%run_scoped3A : memref<!tpu.dma_semaphore, #tpu.memory_space<semaphore_mem>>)
      %dma_wait3A = arith.constant 0 : i32
      %dma_wait3A_43 = arith.constant 0 : i32
      %dma_wait3A_44 = tpu.memref_slice %arg10[%dma_wait3A, %dma_wait3A_43] : memref<128x128xf32, #tpu.memory_space<vmem>> -> memref<128x128xf32, #tpu.memory_space<vmem>>
      %dma_wait3A_45 = arith.constant 0 : i32
      %dma_wait3A_46 = tpu.memref_slice %arg13[%add3A_1, %dma_wait3A_45] : memref<5104x128xf32, #tpu.memory_space<vmem_shared>> -> memref<128x128xf32, #tpu.memory_space<vmem_shared>>
      %dma_wait3A_47 = arith.constant 0 : i32
      %dma_wait3A_48 = tpu.memref_slice %arg13[%add3A_1, %dma_wait3A_47] : memref<5104x128xf32, #tpu.memory_space<vmem_shared>> -> memref<128x128xf32, #tpu.memory_space<vmem_shared>>
      %dma_wait3A_49 = arith.constant 0 : i32
      %dma_wait3A_50 = arith.constant 0 : i32
      %dma_wait3A_51 = tpu.memref_slice %arg10[%dma_wait3A_49, %dma_wait3A_50] : memref<128x128xf32, #tpu.memory_space<vmem>> -> memref<128x128xf32, #tpu.memory_space<vmem>>
      tpu.wait_dma2 semaphore(%run_scoped3A : memref<!tpu.dma_semaphore, #tpu.memory_space<semaphore_mem>>) src(%dma_wait3A_51 : memref<128x128xf32, #tpu.memory_space<vmem>>) dst(%dma_wait3A_48 : memref<128x128xf32, #tpu.memory_space<vmem_shared>>)
      tpu.yield
    }) : () -> ()
    %add3A_2 = arith.constant 128 : i32
    %add3A_3 = arith.addi %mul3A_0, %add3A_2 : i32
    "tpu.region"() ({
      %run_scoped3A = tpu.sem_alloc : memref<!tpu.dma_semaphore, #tpu.memory_space<semaphore_mem>>
      %dma_start3A_33 = arith.constant 0 : i32
      %dma_start3A_34 = arith.constant 0 : i32
      %dma_start3A_35 = tpu.memref_slice %arg10[%dma_start3A_33, %dma_start3A_34] : memref<128x128xf32, #tpu.memory_space<vmem>> -> memref<128x128xf32, #tpu.memory_space<vmem>>
      %dma_start3A_36 = arith.constant 0 : i32
      %dma_start3A_37 = tpu.memref_slice %arg13[%add3A_3, %dma_start3A_36] : memref<5104x128xf32, #tpu.memory_space<vmem_shared>> -> memref<128x128xf32, #tpu.memory_space<vmem_shared>>
      %dma_start3A_38 = arith.constant 0 : i32
      %dma_start3A_39 = tpu.memref_slice %arg13[%add3A_3, %dma_start3A_38] : memref<5104x128xf32, #tpu.memory_space<vmem_shared>> -> memref<128x128xf32, #tpu.memory_space<vmem_shared>>
      %dma_start3A_40 = arith.constant 0 : i32
      %dma_start3A_41 = arith.constant 0 : i32
      %dma_start3A_42 = tpu.memref_slice %arg10[%dma_start3A_40, %dma_start3A_41] : memref<128x128xf32, #tpu.memory_space<vmem>> -> memref<128x128xf32, #tpu.memory_space<vmem>>
      tpu.enqueue_dma source(%dma_start3A_42 : memref<128x128xf32, #tpu.memory_space<vmem>>) target(%dma_start3A_39 : memref<128x128xf32, #tpu.memory_space<vmem_shared>>) target_semaphore(%run_scoped3A : memref<!tpu.dma_semaphore, #tpu.memory_space<semaphore_mem>>)
      %dma_wait3A = arith.constant 0 : i32
      %dma_wait3A_43 = arith.constant 0 : i32
      %dma_wait3A_44 = tpu.memref_slice %arg10[%dma_wait3A, %dma_wait3A_43] : memref<128x128xf32, #tpu.memory_space<vmem>> -> memref<128x128xf32, #tpu.memory_space<vmem>>
      %dma_wait3A_45 = arith.constant 0 : i32
      %dma_wait3A_46 = tpu.memref_slice %arg13[%add3A_3, %dma_wait3A_45] : memref<5104x128xf32, #tpu.memory_space<vmem_shared>> -> memref<128x128xf32, #tpu.memory_space<vmem_shared>>
      %dma_wait3A_47 = arith.constant 0 : i32
      %dma_wait3A_48 = tpu.memref_slice %arg13[%add3A_3, %dma_wait3A_47] : memref<5104x128xf32, #tpu.memory_space<vmem_shared>> -> memref<128x128xf32, #tpu.memory_space<vmem_shared>>
      %dma_wait3A_49 = arith.constant 0 : i32
      %dma_wait3A_50 = arith.constant 0 : i32
      %dma_wait3A_51 = tpu.memref_slice %arg10[%dma_wait3A_49, %dma_wait3A_50] : memref<128x128xf32, #tpu.memory_space<vmem>> -> memref<128x128xf32, #tpu.memory_space<vmem>>
      tpu.wait_dma2 semaphore(%run_scoped3A : memref<!tpu.dma_semaphore, #tpu.memory_space<semaphore_mem>>) src(%dma_wait3A_51 : memref<128x128xf32, #tpu.memory_space<vmem>>) dst(%dma_wait3A_48 : memref<128x128xf32, #tpu.memory_space<vmem_shared>>)
      tpu.yield
    }) : () -> ()
    %add3A_4 = arith.constant 256 : i32
    %add3A_5 = arith.addi %mul3A_0, %add3A_4 : i32
    "tpu.region"() ({
      %run_scoped3A = tpu.sem_alloc : memref<!tpu.dma_semaphore, #tpu.memory_space<semaphore_mem>>
      %dma_start3A_33 = arith.constant 0 : i32
      %dma_start3A_34 = arith.constant 0 : i32
      %dma_start3A_35 = tpu.memref_slice %arg10[%dma_start3A_33, %dma_start3A_34] : memref<128x128xf32, #tpu.memory_space<vmem>> -> memref<63x128xf32, #tpu.memory_space<vmem>>
      %dma_start3A_36 = arith.constant 0 : i32
      %dma_start3A_37 = tpu.memref_slice %arg13[%add3A_5, %dma_start3A_36] : memref<5104x128xf32, #tpu.memory_space<vmem_shared>> -> memref<63x128xf32, #tpu.memory_space<vmem_shared>>
      %dma_start3A_38 = arith.constant 0 : i32
      %dma_start3A_39 = tpu.memref_slice %arg13[%add3A_5, %dma_start3A_38] : memref<5104x128xf32, #tpu.memory_space<vmem_shared>> -> memref<63x128xf32, #tpu.memory_space<vmem_shared>>
      %dma_start3A_40 = arith.constant 0 : i32
      %dma_start3A_41 = arith.constant 0 : i32
      %dma_start3A_42 = tpu.memref_slice %arg10[%dma_start3A_40, %dma_start3A_41] : memref<128x128xf32, #tpu.memory_space<vmem>> -> memref<63x128xf32, #tpu.memory_space<vmem>>
      tpu.enqueue_dma source(%dma_start3A_42 : memref<63x128xf32, #tpu.memory_space<vmem>>) target(%dma_start3A_39 : memref<63x128xf32, #tpu.memory_space<vmem_shared>>) target_semaphore(%run_scoped3A : memref<!tpu.dma_semaphore, #tpu.memory_space<semaphore_mem>>)
      %dma_wait3A = arith.constant 0 : i32
      %dma_wait3A_43 = arith.constant 0 : i32
      %dma_wait3A_44 = tpu.memref_slice %arg10[%dma_wait3A, %dma_wait3A_43] : memref<128x128xf32, #tpu.memory_space<vmem>> -> memref<63x128xf32, #tpu.memory_space<vmem>>
      %dma_wait3A_45 = arith.constant 0 : i32
      %dma_wait3A_46 = tpu.memref_slice %arg13[%add3A_5, %dma_wait3A_45] : memref<5104x128xf32, #tpu.memory_space<vmem_shared>> -> memref<63x128xf32, #tpu.memory_space<vmem_shared>>
      %dma_wait3A_47 = arith.constant 0 : i32
      %dma_wait3A_48 = tpu.memref_slice %arg13[%add3A_5, %dma_wait3A_47] : memref<5104x128xf32, #tpu.memory_space<vmem_shared>> -> memref<63x128xf32, #tpu.memory_space<vmem_shared>>
      %dma_wait3A_49 = arith.constant 0 : i32
      %dma_wait3A_50 = arith.constant 0 : i32
      %dma_wait3A_51 = tpu.memref_slice %arg10[%dma_wait3A_49, %dma_wait3A_50] : memref<128x128xf32, #tpu.memory_space<vmem>> -> memref<63x128xf32, #tpu.memory_space<vmem>>
      tpu.wait_dma2 semaphore(%run_scoped3A : memref<!tpu.dma_semaphore, #tpu.memory_space<semaphore_mem>>) src(%dma_wait3A_51 : memref<63x128xf32, #tpu.memory_space<vmem>>) dst(%dma_wait3A_48 : memref<63x128xf32, #tpu.memory_space<vmem_shared>>)
      tpu.yield
    }) : () -> ()
    %barrier3A = arith.constant 0 : index
    tpu.barrier barrier_id(%barrier3A)
    "tpu.region"() ({
      %run_scoped3A = tpu.sem_alloc : memref<!tpu.dma_semaphore, #tpu.memory_space<semaphore_mem>>
      %dma_start3A_33 = arith.constant 0 : i32
      %dma_start3A_34 = arith.constant 0 : i32
      %dma_start3A_35 = tpu.memref_slice %arg3[%arg1, %dma_start3A_33, %dma_start3A_34] : memref<16x158x128xi32, #tpu.memory_space<hbm>> -> memref<1x158x128xi32, #tpu.memory_space<hbm>>
      %dma_start3A_36 = tpu.memref_squeeze %dma_start3A_35 : memref<1x158x128xi32, #tpu.memory_space<hbm>> -> memref<158x128xi32, #tpu.memory_space<hbm>>
      %dma_start3A_37 = arith.constant 0 : i32
      %dma_start3A_38 = arith.constant 0 : i32
      %dma_start3A_39 = tpu.memref_slice %arg3[%arg1, %dma_start3A_37, %dma_start3A_38] : memref<16x158x128xi32, #tpu.memory_space<hbm>> -> memref<1x158x128xi32, #tpu.memory_space<hbm>>
      %dma_start3A_40 = tpu.memref_squeeze %dma_start3A_39 : memref<1x158x128xi32, #tpu.memory_space<hbm>> -> memref<158x128xi32, #tpu.memory_space<hbm>>
      tpu.enqueue_dma source(%dma_start3A_40 : memref<158x128xi32, #tpu.memory_space<hbm>>) target(%arg7 : memref<158x128xi32, #tpu.memory_space<vmem>>) target_semaphore(%run_scoped3A : memref<!tpu.dma_semaphore, #tpu.memory_space<semaphore_mem>>)
      %dma_wait3A = arith.constant 0 : i32
      %dma_wait3A_41 = arith.constant 0 : i32
      %dma_wait3A_42 = tpu.memref_slice %arg3[%arg1, %dma_wait3A, %dma_wait3A_41] : memref<16x158x128xi32, #tpu.memory_space<hbm>> -> memref<1x158x128xi32, #tpu.memory_space<hbm>>
      %dma_wait3A_43 = tpu.memref_squeeze %dma_wait3A_42 : memref<1x158x128xi32, #tpu.memory_space<hbm>> -> memref<158x128xi32, #tpu.memory_space<hbm>>
      %dma_wait3A_44 = arith.constant 0 : i32
      %dma_wait3A_45 = arith.constant 0 : i32
      %dma_wait3A_46 = tpu.memref_slice %arg3[%arg1, %dma_wait3A_44, %dma_wait3A_45] : memref<16x158x128xi32, #tpu.memory_space<hbm>> -> memref<1x158x128xi32, #tpu.memory_space<hbm>>
      %dma_wait3A_47 = tpu.memref_squeeze %dma_wait3A_46 : memref<1x158x128xi32, #tpu.memory_space<hbm>> -> memref<158x128xi32, #tpu.memory_space<hbm>>
      tpu.wait_dma2 semaphore(%run_scoped3A : memref<!tpu.dma_semaphore, #tpu.memory_space<semaphore_mem>>) src(%dma_wait3A_47 : memref<158x128xi32, #tpu.memory_space<hbm>>) dst(%arg7 : memref<158x128xi32, #tpu.memory_space<vmem>>)
      tpu.yield
    }) : () -> ()
    "tpu.region"() ({
      %run_scoped3A = tpu.sem_alloc : memref<!tpu.dma_semaphore, #tpu.memory_space<semaphore_mem>>
      %dma_start3A_33 = arith.constant 0 : i32
      %dma_start3A_34 = arith.constant 0 : i32
      %dma_start3A_35 = tpu.memref_slice %arg4[%arg0, %arg1, %dma_start3A_33, %dma_start3A_34] : memref<2x16x158x128xi32, #tpu.memory_space<hbm>> -> memref<1x1x158x128xi32, #tpu.memory_space<hbm>>
      %dma_start3A_36 = tpu.memref_squeeze %dma_start3A_35 : memref<1x1x158x128xi32, #tpu.memory_space<hbm>> -> memref<158x128xi32, #tpu.memory_space<hbm>>
      %dma_start3A_37 = arith.constant 0 : i32
      %dma_start3A_38 = arith.constant 0 : i32
      %dma_start3A_39 = tpu.memref_slice %arg4[%arg0, %arg1, %dma_start3A_37, %dma_start3A_38] : memref<2x16x158x128xi32, #tpu.memory_space<hbm>> -> memref<1x1x158x128xi32, #tpu.memory_space<hbm>>
      %dma_start3A_40 = tpu.memref_squeeze %dma_start3A_39 : memref<1x1x158x128xi32, #tpu.memory_space<hbm>> -> memref<158x128xi32, #tpu.memory_space<hbm>>
      tpu.enqueue_dma source(%dma_start3A_40 : memref<158x128xi32, #tpu.memory_space<hbm>>) target(%arg8 : memref<158x128xi32, #tpu.memory_space<vmem>>) target_semaphore(%run_scoped3A : memref<!tpu.dma_semaphore, #tpu.memory_space<semaphore_mem>>)
      %dma_wait3A = arith.constant 0 : i32
      %dma_wait3A_41 = arith.constant 0 : i32
      %dma_wait3A_42 = tpu.memref_slice %arg4[%arg0, %arg1, %dma_wait3A, %dma_wait3A_41] : memref<2x16x158x128xi32, #tpu.memory_space<hbm>> -> memref<1x1x158x128xi32, #tpu.memory_space<hbm>>
      %dma_wait3A_43 = tpu.memref_squeeze %dma_wait3A_42 : memref<1x1x158x128xi32, #tpu.memory_space<hbm>> -> memref<158x128xi32, #tpu.memory_space<hbm>>
      %dma_wait3A_44 = arith.constant 0 : i32
      %dma_wait3A_45 = arith.constant 0 : i32
      %dma_wait3A_46 = tpu.memref_slice %arg4[%arg0, %arg1, %dma_wait3A_44, %dma_wait3A_45] : memref<2x16x158x128xi32, #tpu.memory_space<hbm>> -> memref<1x1x158x128xi32, #tpu.memory_space<hbm>>
      %dma_wait3A_47 = tpu.memref_squeeze %dma_wait3A_46 : memref<1x1x158x128xi32, #tpu.memory_space<hbm>> -> memref<158x128xi32, #tpu.memory_space<hbm>>
      tpu.wait_dma2 semaphore(%run_scoped3A : memref<!tpu.dma_semaphore, #tpu.memory_space<semaphore_mem>>) src(%dma_wait3A_47 : memref<158x128xi32, #tpu.memory_space<hbm>>) dst(%arg8 : memref<158x128xi32, #tpu.memory_space<vmem>>)
      tpu.yield
    }) : () -> ()
    %dma_start3A = arith.constant 0 : i32
    %dma_start3A_6 = arith.constant 0 : i32
    %dma_start3A_7 = arith.constant 0 : i32
    %dma_start3A_8 = arith.constant 0 : i32
    %dma_start3A_9 = tpu.memref_slice %arg9[%dma_start3A_6, %dma_start3A_7, %dma_start3A_8] : memref<2x128x128xf32, #tpu.memory_space<vmem>> -> memref<1x128x128xf32, #tpu.memory_space<vmem>>
    %dma_start3A_10 = tpu.memref_squeeze %dma_start3A_9 : memref<1x128x128xf32, #tpu.memory_space<vmem>> -> memref<128x128xf32, #tpu.memory_space<vmem>>
    %dma_start3A_11 = arith.constant 0 : i32
    %dma_start3A_12 = tpu.memref_slice %arg7[%dma_start3A, %dma_start3A_11] : memref<158x128xi32, #tpu.memory_space<vmem>> -> memref<1x128xi32, #tpu.memory_space<vmem>>
    %dma_start3A_13 = tpu.memref_squeeze %dma_start3A_12 : memref<1x128xi32, #tpu.memory_space<vmem>> -> memref<128xi32, #tpu.memory_space<vmem>>
    %dma_start3A_14 = arith.constant 0 : i32
    %dma_start3A_15 = arith.constant 0 : i32
    %dma_start3A_16 = tpu.memref_slice %arg2[%dma_start3A_14, %dma_start3A_15] : memref<10000x128xf32, #tpu.memory_space<hbm>> -> memref<10000x128xf32, #tpu.memory_space<hbm>>
    tpu.enqueue_indirect_dma source(%dma_start3A_16 : memref<10000x128xf32, #tpu.memory_space<hbm>>) target(%dma_start3A_10 : memref<128x128xf32, #tpu.memory_space<vmem>>) offsets(%dma_start3A_13 : memref<128xi32, #tpu.memory_space<vmem>>) semaphore(%arg11 : memref<!tpu.dma_semaphore, #tpu.memory_space<semaphore_mem>>)
    %scan3A = arith.constant 0 : i32
    %scan3A_17 = arith.constant 79 : i32
    %scan3A_18 = arith.addi %scan3A, %scan3A_17 : i32
    %scan3A_19 = arith.constant 1 : i32
    scf.for %scan3A_33 = %scan3A to %scan3A_18 step %scan3A_19  : i32 {
      %mul3A_34 = arith.constant 2 : i32
      %mul3A_35 = arith.muli %scan3A_33, %mul3A_34 : i32
      %add3A_36 = arith.constant 0 : i32
      %add3A_37 = arith.addi %add3A_36, %mul3A_35 : i32
      %add3A_38 = arith.constant 0 : i32
      %add3A_39 = arith.addi %add3A_37, %add3A_38 : i32
      %add3A_40 = arith.constant 1 : i32
      %add3A_41 = arith.addi %add3A_39, %add3A_40 : i32
      %lt3A_42 = arith.constant 158 : i32
      %lt3A_43 = arith.cmpi slt, %add3A_41, %lt3A_42 : i32
      %convert_element_type3A_44 = arith.extui %lt3A_43 : i1 to i32
      %cond3A_45 = arith.constant 0 : i32
      %cond3A_46 = arith.cmpi ne, %convert_element_type3A_44, %cond3A_45 : i32
      scf.if %cond3A_46 {
        %add3A_78 = arith.constant 1 : i32
        %add3A_79 = arith.addi %add3A_39, %add3A_78 : i32
        %dma_start3A_80 = arith.constant 1 : i32
        %dma_start3A_81 = arith.constant 0 : i32
        %dma_start3A_82 = arith.constant 0 : i32
        %dma_start3A_83 = tpu.memref_slice %arg9[%dma_start3A_80, %dma_start3A_81, %dma_start3A_82] : memref<2x128x128xf32, #tpu.memory_space<vmem>> -> memref<1x128x128xf32, #tpu.memory_space<vmem>>
        %dma_start3A_84 = tpu.memref_squeeze %dma_start3A_83 : memref<1x128x128xf32, #tpu.memory_space<vmem>> -> memref<128x128xf32, #tpu.memory_space<vmem>>
        %dma_start3A_85 = arith.constant 0 : i32
        %dma_start3A_86 = tpu.memref_slice %arg7[%add3A_79, %dma_start3A_85] : memref<158x128xi32, #tpu.memory_space<vmem>> -> memref<1x128xi32, #tpu.memory_space<vmem>>
        %dma_start3A_87 = tpu.memref_squeeze %dma_start3A_86 : memref<1x128xi32, #tpu.memory_space<vmem>> -> memref<128xi32, #tpu.memory_space<vmem>>
        %dma_start3A_88 = arith.constant 0 : i32
        %dma_start3A_89 = arith.constant 0 : i32
        %dma_start3A_90 = tpu.memref_slice %arg2[%dma_start3A_88, %dma_start3A_89] : memref<10000x128xf32, #tpu.memory_space<hbm>> -> memref<10000x128xf32, #tpu.memory_space<hbm>>
        tpu.enqueue_indirect_dma source(%dma_start3A_90 : memref<10000x128xf32, #tpu.memory_space<hbm>>) target(%dma_start3A_84 : memref<128x128xf32, #tpu.memory_space<vmem>>) offsets(%dma_start3A_87 : memref<128xi32, #tpu.memory_space<vmem>>) semaphore(%arg12 : memref<!tpu.dma_semaphore, #tpu.memory_space<semaphore_mem>>)
      } else {
      }
      %dma_wait3A = arith.constant 0 : i32
      %dma_wait3A_47 = arith.constant 0 : i32
      %dma_wait3A_48 = arith.constant 0 : i32
      %dma_wait3A_49 = tpu.memref_slice %arg9[%dma_wait3A, %dma_wait3A_47, %dma_wait3A_48] : memref<2x128x128xf32, #tpu.memory_space<vmem>> -> memref<1x128x128xf32, #tpu.memory_space<vmem>>
      %dma_wait3A_50 = tpu.memref_squeeze %dma_wait3A_49 : memref<1x128x128xf32, #tpu.memory_space<vmem>> -> memref<128x128xf32, #tpu.memory_space<vmem>>
      %dma_wait3A_51 = arith.constant 0 : i32
      %dma_wait3A_52 = tpu.memref_slice %arg7[%add3A_39, %dma_wait3A_51] : memref<158x128xi32, #tpu.memory_space<vmem>> -> memref<1x128xi32, #tpu.memory_space<vmem>>
      %dma_wait3A_53 = tpu.memref_squeeze %dma_wait3A_52 : memref<1x128xi32, #tpu.memory_space<vmem>> -> memref<128xi32, #tpu.memory_space<vmem>>
      %dma_wait3A_54 = arith.constant 0 : i32
      %dma_wait3A_55 = arith.constant 0 : i32
      %dma_wait3A_56 = tpu.memref_slice %arg2[%dma_wait3A_54, %dma_wait3A_55] : memref<10000x128xf32, #tpu.memory_space<hbm>> -> memref<10000x128xf32, #tpu.memory_space<hbm>>
      tpu.wait_indirect_dma semaphore(%arg11 : memref<!tpu.dma_semaphore, #tpu.memory_space<semaphore_mem>>) src(%dma_wait3A_56 : memref<10000x128xf32, #tpu.memory_space<hbm>>) dst(%dma_wait3A_50 : memref<128x128xf32, #tpu.memory_space<vmem>>)
      %run_scoped3A = arith.constant 0 : i32
      "tpu.region"() ({
        %run_scoped3A_78 = tpu.sem_alloc : memref<!tpu.dma_semaphore, #tpu.memory_space<semaphore_mem>>
        %dma_start3A_79 = arith.constant 0 : i32
        %dma_start3A_80 = arith.constant 0 : i32
        %dma_start3A_81 = tpu.memref_slice %arg9[%run_scoped3A, %dma_start3A_79, %dma_start3A_80] : memref<2x128x128xf32, #tpu.memory_space<vmem>> -> memref<1x128x128xf32, #tpu.memory_space<vmem>>
        %dma_start3A_82 = tpu.memref_squeeze %dma_start3A_81 : memref<1x128x128xf32, #tpu.memory_space<vmem>> -> memref<128x128xf32, #tpu.memory_space<vmem>>
        %dma_start3A_83 = arith.constant 0 : i32
        %dma_start3A_84 = tpu.memref_slice %arg8[%add3A_39, %dma_start3A_83] : memref<158x128xi32, #tpu.memory_space<vmem>> -> memref<1x128xi32, #tpu.memory_space<vmem>>
        %dma_start3A_85 = tpu.memref_squeeze %dma_start3A_84 : memref<1x128xi32, #tpu.memory_space<vmem>> -> memref<128xi32, #tpu.memory_space<vmem>>
        %dma_start3A_86 = arith.constant 0 : i32
        %dma_start3A_87 = arith.constant 0 : i32
        %dma_start3A_88 = tpu.memref_slice %arg13[%dma_start3A_86, %dma_start3A_87] : memref<5104x128xf32, #tpu.memory_space<vmem_shared>> -> memref<5104x128xf32, #tpu.memory_space<vmem_shared>>
        tpu.enqueue_indirect_dma source(%dma_start3A_82 : memref<128x128xf32, #tpu.memory_space<vmem>>) target(%dma_start3A_88 : memref<5104x128xf32, #tpu.memory_space<vmem_shared>>) offsets(%dma_start3A_85 : memref<128xi32, #tpu.memory_space<vmem>>) semaphore(%run_scoped3A_78 : memref<!tpu.dma_semaphore, #tpu.memory_space<semaphore_mem>>) {add = true}
        %dma_wait3A_89 = arith.constant 0 : i32
        %dma_wait3A_90 = arith.constant 0 : i32
        %dma_wait3A_91 = tpu.memref_slice %arg9[%run_scoped3A, %dma_wait3A_89, %dma_wait3A_90] : memref<2x128x128xf32, #tpu.memory_space<vmem>> -> memref<1x128x128xf32, #tpu.memory_space<vmem>>
        %dma_wait3A_92 = tpu.memref_squeeze %dma_wait3A_91 : memref<1x128x128xf32, #tpu.memory_space<vmem>> -> memref<128x128xf32, #tpu.memory_space<vmem>>
        %dma_wait3A_93 = arith.constant 0 : i32
        %dma_wait3A_94 = tpu.memref_slice %arg8[%add3A_39, %dma_wait3A_93] : memref<158x128xi32, #tpu.memory_space<vmem>> -> memref<1x128xi32, #tpu.memory_space<vmem>>
        %dma_wait3A_95 = tpu.memref_squeeze %dma_wait3A_94 : memref<1x128xi32, #tpu.memory_space<vmem>> -> memref<128xi32, #tpu.memory_space<vmem>>
        %dma_wait3A_96 = arith.constant 0 : i32
        %dma_wait3A_97 = arith.constant 0 : i32
        %dma_wait3A_98 = tpu.memref_slice %arg13[%dma_wait3A_96, %dma_wait3A_97] : memref<5104x128xf32, #tpu.memory_space<vmem_shared>> -> memref<5104x128xf32, #tpu.memory_space<vmem_shared>>
        tpu.wait_indirect_dma semaphore(%run_scoped3A_78 : memref<!tpu.dma_semaphore, #tpu.memory_space<semaphore_mem>>) src(%dma_wait3A_92 : memref<128x128xf32, #tpu.memory_space<vmem>>) dst(%dma_wait3A_98 : memref<5104x128xf32, #tpu.memory_space<vmem_shared>>)
        tpu.yield
      }) : () -> ()
      %add3A_57 = arith.constant 1 : i32
      %add3A_58 = arith.addi %add3A_37, %add3A_57 : i32
      %add3A_59 = arith.constant 1 : i32
      %add3A_60 = arith.addi %add3A_58, %add3A_59 : i32
      %lt3A_61 = arith.constant 158 : i32
      %lt3A_62 = arith.cmpi slt, %add3A_60, %lt3A_61 : i32
      %convert_element_type3A_63 = arith.extui %lt3A_62 : i1 to i32
      %cond3A_64 = arith.constant 0 : i32
      %cond3A_65 = arith.cmpi ne, %convert_element_type3A_63, %cond3A_64 : i32
      scf.if %cond3A_65 {
        %add3A_78 = arith.constant 1 : i32
        %add3A_79 = arith.addi %add3A_58, %add3A_78 : i32
        %dma_start3A_80 = arith.constant 0 : i32
        %dma_start3A_81 = arith.constant 0 : i32
        %dma_start3A_82 = arith.constant 0 : i32
        %dma_start3A_83 = tpu.memref_slice %arg9[%dma_start3A_80, %dma_start3A_81, %dma_start3A_82] : memref<2x128x128xf32, #tpu.memory_space<vmem>> -> memref<1x128x128xf32, #tpu.memory_space<vmem>>
        %dma_start3A_84 = tpu.memref_squeeze %dma_start3A_83 : memref<1x128x128xf32, #tpu.memory_space<vmem>> -> memref<128x128xf32, #tpu.memory_space<vmem>>
        %dma_start3A_85 = arith.constant 0 : i32
        %dma_start3A_86 = tpu.memref_slice %arg7[%add3A_79, %dma_start3A_85] : memref<158x128xi32, #tpu.memory_space<vmem>> -> memref<1x128xi32, #tpu.memory_space<vmem>>
        %dma_start3A_87 = tpu.memref_squeeze %dma_start3A_86 : memref<1x128xi32, #tpu.memory_space<vmem>> -> memref<128xi32, #tpu.memory_space<vmem>>
        %dma_start3A_88 = arith.constant 0 : i32
        %dma_start3A_89 = arith.constant 0 : i32
        %dma_start3A_90 = tpu.memref_slice %arg2[%dma_start3A_88, %dma_start3A_89] : memref<10000x128xf32, #tpu.memory_space<hbm>> -> memref<10000x128xf32, #tpu.memory_space<hbm>>
        tpu.enqueue_indirect_dma source(%dma_start3A_90 : memref<10000x128xf32, #tpu.memory_space<hbm>>) target(%dma_start3A_84 : memref<128x128xf32, #tpu.memory_space<vmem>>) offsets(%dma_start3A_87 : memref<128xi32, #tpu.memory_space<vmem>>) semaphore(%arg11 : memref<!tpu.dma_semaphore, #tpu.memory_space<semaphore_mem>>)
      } else {
      }
      %dma_wait3A_66 = arith.constant 1 : i32
      %dma_wait3A_67 = arith.constant 0 : i32
      %dma_wait3A_68 = arith.constant 0 : i32
      %dma_wait3A_69 = tpu.memref_slice %arg9[%dma_wait3A_66, %dma_wait3A_67, %dma_wait3A_68] : memref<2x128x128xf32, #tpu.memory_space<vmem>> -> memref<1x128x128xf32, #tpu.memory_space<vmem>>
      %dma_wait3A_70 = tpu.memref_squeeze %dma_wait3A_69 : memref<1x128x128xf32, #tpu.memory_space<vmem>> -> memref<128x128xf32, #tpu.memory_space<vmem>>
      %dma_wait3A_71 = arith.constant 0 : i32
      %dma_wait3A_72 = tpu.memref_slice %arg7[%add3A_58, %dma_wait3A_71] : memref<158x128xi32, #tpu.memory_space<vmem>> -> memref<1x128xi32, #tpu.memory_space<vmem>>
      %dma_wait3A_73 = tpu.memref_squeeze %dma_wait3A_72 : memref<1x128xi32, #tpu.memory_space<vmem>> -> memref<128xi32, #tpu.memory_space<vmem>>
      %dma_wait3A_74 = arith.constant 0 : i32
      %dma_wait3A_75 = arith.constant 0 : i32
      %dma_wait3A_76 = tpu.memref_slice %arg2[%dma_wait3A_74, %dma_wait3A_75] : memref<10000x128xf32, #tpu.memory_space<hbm>> -> memref<10000x128xf32, #tpu.memory_space<hbm>>
      tpu.wait_indirect_dma semaphore(%arg12 : memref<!tpu.dma_semaphore, #tpu.memory_space<semaphore_mem>>) src(%dma_wait3A_76 : memref<10000x128xf32, #tpu.memory_space<hbm>>) dst(%dma_wait3A_70 : memref<128x128xf32, #tpu.memory_space<vmem>>)
      %run_scoped3A_77 = arith.constant 1 : i32
      "tpu.region"() ({
        %run_scoped3A_78 = tpu.sem_alloc : memref<!tpu.dma_semaphore, #tpu.memory_space<semaphore_mem>>
        %dma_start3A_79 = arith.constant 0 : i32
        %dma_start3A_80 = arith.constant 0 : i32
        %dma_start3A_81 = tpu.memref_slice %arg9[%run_scoped3A_77, %dma_start3A_79, %dma_start3A_80] : memref<2x128x128xf32, #tpu.memory_space<vmem>> -> memref<1x128x128xf32, #tpu.memory_space<vmem>>
        %dma_start3A_82 = tpu.memref_squeeze %dma_start3A_81 : memref<1x128x128xf32, #tpu.memory_space<vmem>> -> memref<128x128xf32, #tpu.memory_space<vmem>>
        %dma_start3A_83 = arith.constant 0 : i32
        %dma_start3A_84 = tpu.memref_slice %arg8[%add3A_58, %dma_start3A_83] : memref<158x128xi32, #tpu.memory_space<vmem>> -> memref<1x128xi32, #tpu.memory_space<vmem>>
        %dma_start3A_85 = tpu.memref_squeeze %dma_start3A_84 : memref<1x128xi32, #tpu.memory_space<vmem>> -> memref<128xi32, #tpu.memory_space<vmem>>
        %dma_start3A_86 = arith.constant 0 : i32
        %dma_start3A_87 = arith.constant 0 : i32
        %dma_start3A_88 = tpu.memref_slice %arg13[%dma_start3A_86, %dma_start3A_87] : memref<5104x128xf32, #tpu.memory_space<vmem_shared>> -> memref<5104x128xf32, #tpu.memory_space<vmem_shared>>
        tpu.enqueue_indirect_dma source(%dma_start3A_82 : memref<128x128xf32, #tpu.memory_space<vmem>>) target(%dma_start3A_88 : memref<5104x128xf32, #tpu.memory_space<vmem_shared>>) offsets(%dma_start3A_85 : memref<128xi32, #tpu.memory_space<vmem>>) semaphore(%run_scoped3A_78 : memref<!tpu.dma_semaphore, #tpu.memory_space<semaphore_mem>>) {add = true}
        %dma_wait3A_89 = arith.constant 0 : i32
        %dma_wait3A_90 = arith.constant 0 : i32
        %dma_wait3A_91 = tpu.memref_slice %arg9[%run_scoped3A_77, %dma_wait3A_89, %dma_wait3A_90] : memref<2x128x128xf32, #tpu.memory_space<vmem>> -> memref<1x128x128xf32, #tpu.memory_space<vmem>>
        %dma_wait3A_92 = tpu.memref_squeeze %dma_wait3A_91 : memref<1x128x128xf32, #tpu.memory_space<vmem>> -> memref<128x128xf32, #tpu.memory_space<vmem>>
        %dma_wait3A_93 = arith.constant 0 : i32
        %dma_wait3A_94 = tpu.memref_slice %arg8[%add3A_58, %dma_wait3A_93] : memref<158x128xi32, #tpu.memory_space<vmem>> -> memref<1x128xi32, #tpu.memory_space<vmem>>
        %dma_wait3A_95 = tpu.memref_squeeze %dma_wait3A_94 : memref<1x128xi32, #tpu.memory_space<vmem>> -> memref<128xi32, #tpu.memory_space<vmem>>
        %dma_wait3A_96 = arith.constant 0 : i32
        %dma_wait3A_97 = arith.constant 0 : i32
        %dma_wait3A_98 = tpu.memref_slice %arg13[%dma_wait3A_96, %dma_wait3A_97] : memref<5104x128xf32, #tpu.memory_space<vmem_shared>> -> memref<5104x128xf32, #tpu.memory_space<vmem_shared>>
        tpu.wait_indirect_dma semaphore(%run_scoped3A_78 : memref<!tpu.dma_semaphore, #tpu.memory_space<semaphore_mem>>) src(%dma_wait3A_92 : memref<128x128xf32, #tpu.memory_space<vmem>>) dst(%dma_wait3A_98 : memref<5104x128xf32, #tpu.memory_space<vmem_shared>>)
        tpu.yield
      }) : () -> ()
    }
    %scan3A_20 = arith.constant 79 : i32
    %barrier3A_21 = arith.constant 0 : index
    tpu.barrier barrier_id(%barrier3A_21)
    %add3A_22 = arith.constant 0 : i32
    %add3A_23 = arith.addi %arg1, %add3A_22 : i32
    %lt3A = arith.constant 25 : i32
    %lt3A_24 = arith.cmpi slt, %add3A_23, %lt3A : i32
    %convert_element_type3A = arith.extui %lt3A_24 : i1 to i32
    %cond3A = arith.constant 0 : i32
    %cond3A_25 = arith.cmpi ne, %convert_element_type3A, %cond3A : i32
    scf.if %cond3A_25 {
      %mul3A_33 = arith.constant 200 : i32
      %mul3A_34 = arith.muli %add3A_23, %mul3A_33 : i32
      %mul3A_35 = arith.constant 200 : i32
      %mul3A_36 = arith.muli %add3A_23, %mul3A_35 : i32
      "tpu.region"() ({
        %run_scoped3A = tpu.sem_alloc : memref<!tpu.dma_semaphore, #tpu.memory_space<semaphore_mem>>
        %dma_start3A_37 = arith.constant 0 : i32
        %dma_start3A_38 = tpu.memref_slice %arg6[%arg0, %mul3A_36, %dma_start3A_37] : memref<2x5000x128xf32, #tpu.memory_space<hbm>> -> memref<1x200x128xf32, #tpu.memory_space<hbm>>
        %dma_start3A_39 = tpu.memref_squeeze %dma_start3A_38 : memref<1x200x128xf32, #tpu.memory_space<hbm>> -> memref<200x128xf32, #tpu.memory_space<hbm>>
        %dma_start3A_40 = arith.constant 0 : i32
        %dma_start3A_41 = tpu.memref_slice %arg13[%mul3A_34, %dma_start3A_40] : memref<5104x128xf32, #tpu.memory_space<vmem_shared>> -> memref<200x128xf32, #tpu.memory_space<vmem_shared>>
        tpu.enqueue_dma source(%dma_start3A_41 : memref<200x128xf32, #tpu.memory_space<vmem_shared>>) target(%dma_start3A_39 : memref<200x128xf32, #tpu.memory_space<hbm>>) target_semaphore(%run_scoped3A : memref<!tpu.dma_semaphore, #tpu.memory_space<semaphore_mem>>)
        %dma_wait3A = arith.constant 0 : i32
        %dma_wait3A_42 = tpu.memref_slice %arg6[%arg0, %mul3A_36, %dma_wait3A] : memref<2x5000x128xf32, #tpu.memory_space<hbm>> -> memref<1x200x128xf32, #tpu.memory_space<hbm>>
        %dma_wait3A_43 = tpu.memref_squeeze %dma_wait3A_42 : memref<1x200x128xf32, #tpu.memory_space<hbm>> -> memref<200x128xf32, #tpu.memory_space<hbm>>
        %dma_wait3A_44 = arith.constant 0 : i32
        %dma_wait3A_45 = tpu.memref_slice %arg13[%mul3A_34, %dma_wait3A_44] : memref<5104x128xf32, #tpu.memory_space<vmem_shared>> -> memref<200x128xf32, #tpu.memory_space<vmem_shared>>
        tpu.wait_dma2 semaphore(%run_scoped3A : memref<!tpu.dma_semaphore, #tpu.memory_space<semaphore_mem>>) src(%dma_wait3A_45 : memref<200x128xf32, #tpu.memory_space<vmem_shared>>) dst(%dma_wait3A_43 : memref<200x128xf32, #tpu.memory_space<hbm>>)
        tpu.yield
      }) : () -> ()
    } else {
    }
    %add3A_26 = arith.constant 16 : i32
    %add3A_27 = arith.addi %arg1, %add3A_26 : i32
    %lt3A_28 = arith.constant 25 : i32
    %lt3A_29 = arith.cmpi slt, %add3A_27, %lt3A_28 : i32
    %convert_element_type3A_30 = arith.extui %lt3A_29 : i1 to i32
    %cond3A_31 = arith.constant 0 : i32
    %cond3A_32 = arith.cmpi ne, %convert_element_type3A_30, %cond3A_31 : i32
    scf.if %cond3A_32 {
      %mul3A_33 = arith.constant 200 : i32
      %mul3A_34 = arith.muli %add3A_27, %mul3A_33 : i32
      %mul3A_35 = arith.constant 200 : i32
      %mul3A_36 = arith.muli %add3A_27, %mul3A_35 : i32
      "tpu.region"() ({
        %run_scoped3A = tpu.sem_alloc : memref<!tpu.dma_semaphore, #tpu.memory_space<semaphore_mem>>
        %dma_start3A_37 = arith.constant 0 : i32
        %dma_start3A_38 = tpu.memref_slice %arg6[%arg0, %mul3A_36, %dma_start3A_37] : memref<2x5000x128xf32, #tpu.memory_space<hbm>> -> memref<1x200x128xf32, #tpu.memory_space<hbm>>
        %dma_start3A_39 = tpu.memref_squeeze %dma_start3A_38 : memref<1x200x128xf32, #tpu.memory_space<hbm>> -> memref<200x128xf32, #tpu.memory_space<hbm>>
        %dma_start3A_40 = arith.constant 0 : i32
        %dma_start3A_41 = tpu.memref_slice %arg13[%mul3A_34, %dma_start3A_40] : memref<5104x128xf32, #tpu.memory_space<vmem_shared>> -> memref<200x128xf32, #tpu.memory_space<vmem_shared>>
        tpu.enqueue_dma source(%dma_start3A_41 : memref<200x128xf32, #tpu.memory_space<vmem_shared>>) target(%dma_start3A_39 : memref<200x128xf32, #tpu.memory_space<hbm>>) target_semaphore(%run_scoped3A : memref<!tpu.dma_semaphore, #tpu.memory_space<semaphore_mem>>)
        %dma_wait3A = arith.constant 0 : i32
        %dma_wait3A_42 = tpu.memref_slice %arg6[%arg0, %mul3A_36, %dma_wait3A] : memref<2x5000x128xf32, #tpu.memory_space<hbm>> -> memref<1x200x128xf32, #tpu.memory_space<hbm>>
        %dma_wait3A_43 = tpu.memref_squeeze %dma_wait3A_42 : memref<1x200x128xf32, #tpu.memory_space<hbm>> -> memref<200x128xf32, #tpu.memory_space<hbm>>
        %dma_wait3A_44 = arith.constant 0 : i32
        %dma_wait3A_45 = tpu.memref_slice %arg13[%mul3A_34, %dma_wait3A_44] : memref<5104x128xf32, #tpu.memory_space<vmem_shared>> -> memref<200x128xf32, #tpu.memory_space<vmem_shared>>
        tpu.wait_dma2 semaphore(%run_scoped3A : memref<!tpu.dma_semaphore, #tpu.memory_space<semaphore_mem>>) src(%dma_wait3A_45 : memref<200x128xf32, #tpu.memory_space<vmem_shared>>) dst(%dma_wait3A_43 : memref<200x128xf32, #tpu.memory_space<hbm>>)
        tpu.yield
      }) : () -> ()
    } else {
    }
    return
  }
}

module attributes {stable_mosaic.version = 14 : i64} {
  func.func @_remap_body(%arg0: i32, %arg1: memref<1x158x128xi32, #tpu.memory_space<vmem>>, %arg2: memref<2x1x158x128xi32, #tpu.memory_space<vmem>>) attributes {dimension_semantics = [#tpu.dimension_semantics<arbitrary>], iteration_bounds = array<i64: 16>, scalar_prefetch = 0 : i64, scratch_operands = 0 : i64, tpu.core_type = #tpu.core_type<tc>, window_params = [{transform_indices = @transform_0, window_bounds = array<i64: 1, 158, 128>}, {transform_indices = @transform_1, window_bounds = array<i64: 2, 1, 158, 128>}]} {
    %get3A = arith.constant 0 : index
    %get3A_0 = arith.constant 0 : index
    %get3A_1 = arith.constant 0 : index
    %get3A_2 = vector.load %arg1[%get3A, %get3A_0, %get3A_1] : memref<1x158x128xi32, #tpu.memory_space<vmem>>, vector<1x158x128xi32>
    %get3A_3 = vector.shape_cast %get3A_2 : vector<1x158x128xi32> to vector<158x128xi32>
    %sub3A = arith.constant 0 : i32
    %sub3A_4 = vector.broadcast %sub3A : i32 to vector<158x128xi32>
    %sub3A_5 = arith.subi %get3A_3, %sub3A_4 : vector<158x128xi32>
    %ge3A = arith.constant 0 : i32
    %ge3A_6 = vector.broadcast %ge3A : i32 to vector<158x128xi32>
    %ge3A_7 = arith.cmpi sge, %sub3A_5, %ge3A_6 : vector<158x128xi32>
    %lt3A = arith.constant 5000 : i32
    %lt3A_8 = vector.broadcast %lt3A : i32 to vector<158x128xi32>
    %lt3A_9 = arith.cmpi slt, %sub3A_5, %lt3A_8 : vector<158x128xi32>
    %and3A = arith.andi %ge3A_7, %lt3A_9 : vector<158x128xi1>
    %mul3A = arith.constant 4 : i32
    %mul3A_10 = arith.muli %mul3A, %arg0 : i32
    %add3A = arith.constant 5000 : i32
    %add3A_11 = arith.addi %add3A, %mul3A_10 : i32
    %broadcast_in_dim3A = vector.broadcast %add3A_11 : i32 to vector<158x128xi32>
    %select_n3A = arith.select %and3A, %sub3A_5, %broadcast_in_dim3A : vector<158x128xi1>, vector<158x128xi32>
    %swap3A = arith.constant 0 : index
    %swap3A_12 = arith.constant 0 : index
    %swap3A_13 = arith.constant 0 : index
    %swap3A_14 = arith.constant 0 : index
    %swap3A_15 = vector.load %arg2[%swap3A, %swap3A_12, %swap3A_13, %swap3A_14] : memref<2x1x158x128xi32, #tpu.memory_space<vmem>>, vector<1x1x158x128xi32>
    %swap3A_16 = vector.shape_cast %swap3A_15 : vector<1x1x158x128xi32> to vector<158x128xi32>
    %swap3A_17 = vector.shape_cast %select_n3A : vector<158x128xi32> to vector<1x1x158x128xi32>
    tpu.vector_store %arg2[%swap3A, %swap3A_12, %swap3A_13, %swap3A_14], %swap3A_17 {strides = array<i32>} : memref<2x1x158x128xi32, #tpu.memory_space<vmem>>, vector<1x1x158x128xi32>,
    %sub3A_18 = arith.constant 5000 : i32
    %sub3A_19 = vector.broadcast %sub3A_18 : i32 to vector<158x128xi32>
    %sub3A_20 = arith.subi %get3A_3, %sub3A_19 : vector<158x128xi32>
    %ge3A_21 = arith.constant 0 : i32
    %ge3A_22 = vector.broadcast %ge3A_21 : i32 to vector<158x128xi32>
    %ge3A_23 = arith.cmpi sge, %sub3A_20, %ge3A_22 : vector<158x128xi32>
    %lt3A_24 = arith.constant 5000 : i32
    %lt3A_25 = vector.broadcast %lt3A_24 : i32 to vector<158x128xi32>
    %lt3A_26 = arith.cmpi slt, %sub3A_20, %lt3A_25 : vector<158x128xi32>
    %and3A_27 = arith.andi %ge3A_23, %lt3A_26 : vector<158x128xi1>
    %mul3A_28 = arith.constant 4 : i32
    %mul3A_29 = arith.muli %mul3A_28, %arg0 : i32
    %add3A_30 = arith.constant 5000 : i32
    %add3A_31 = arith.addi %add3A_30, %mul3A_29 : i32
    %broadcast_in_dim3A_32 = vector.broadcast %add3A_31 : i32 to vector<158x128xi32>
    %select_n3A_33 = arith.select %and3A_27, %sub3A_20, %broadcast_in_dim3A_32 : vector<158x128xi1>, vector<158x128xi32>
    %swap3A_34 = arith.constant 1 : index
    %swap3A_35 = arith.constant 0 : index
    %swap3A_36 = arith.constant 0 : index
    %swap3A_37 = arith.constant 0 : index
    %swap3A_38 = vector.load %arg2[%swap3A_34, %swap3A_35, %swap3A_36, %swap3A_37] : memref<2x1x158x128xi32, #tpu.memory_space<vmem>>, vector<1x1x158x128xi32>
    %swap3A_39 = vector.shape_cast %swap3A_38 : vector<1x1x158x128xi32> to vector<158x128xi32>
    %swap3A_40 = vector.shape_cast %select_n3A_33 : vector<158x128xi32> to vector<1x1x158x128xi32>
    tpu.vector_store %arg2[%swap3A_34, %swap3A_35, %swap3A_36, %swap3A_37], %swap3A_40 {strides = array<i32>} : memref<2x1x158x128xi32, #tpu.memory_space<vmem>>, vector<1x1x158x128xi32>,
    return
  }
  func.func @transform_0(%arg0: i32) -> (i32, i32, i32) {
    %c0_i32 = arith.constant 0 : i32
    %c0_i32_0 = arith.constant 0 : i32
    %c0_i32_1 = arith.constant 0 : i32
    return %arg0, %c0_i32, %c0_i32_0 : i32, i32, i32
  }
  func.func @transform_1(%arg0: i32) -> (i32, i32, i32, i32) {
    %c0_i32 = arith.constant 0 : i32
    %c0_i32_0 = arith.constant 0 : i32
    %c0_i32_1 = arith.constant 0 : i32
    %c0_i32_2 = arith.constant 0 : i32
    return %c0_i32, %arg0, %c0_i32_0, %c0_i32_1 : i32, i32, i32, i32
  }
}

module attributes {stable_mosaic.version = 14 : i64} {
  func.func @_tc1_body(%arg0: i32, %arg1: memref<1000x128xf32, #tpu.memory_space<vmem>>, %arg2: memref<128x128xf32, #tpu.memory_space<vmem>>, %arg3: memref<1000x128xf32, #tpu.memory_space<vmem>>, %arg4: memref<1000x128xf32, #tpu.memory_space<vmem>>) attributes {dimension_semantics = [#tpu.dimension_semantics<arbitrary>], iteration_bounds = array<i64: 10>, scalar_prefetch = 0 : i64, scratch_operands = 0 : i64, tpu.core_type = #tpu.core_type<tc>, window_params = [{transform_indices = @transform_0, window_bounds = array<i64: 1000, 128>}, {pipeline_mode = #tpu.pipeline_mode<synchronous>, transform_indices = @transform_1, window_bounds = array<i64: 128, 128>}, {transform_indices = @transform_2, window_bounds = array<i64: 1000, 128>}, {transform_indices = @transform_3, window_bounds = array<i64: 1000, 128>}]} {
    %get3A = arith.constant 0 : index
    %get3A_0 = arith.constant 0 : index
    %get3A_1 = vector.load %arg3[%get3A, %get3A_0] : memref<1000x128xf32, #tpu.memory_space<vmem>>, vector<1000x1xf32>
    %add3A = arith.constant 1.000000e+00 : f32
    %add3A_2 = vector.broadcast %add3A : f32 to vector<1000x1xf32>
    %add3A_3 = arith.addf %get3A_1, %add3A_2 : vector<1000x1xf32>
    %rsqrt3A = math.rsqrt %add3A_3 : vector<1000x1xf32>
    %get3A_4 = arith.constant 0 : index
    %get3A_5 = arith.constant 0 : index
    %get3A_6 = vector.load %arg1[%get3A_4, %get3A_5] : memref<1000x128xf32, #tpu.memory_space<vmem>>, vector<1000x128xf32>
    %get3A_7 = arith.constant 0 : index
    %get3A_8 = arith.constant 0 : index
    %get3A_9 = vector.load %arg2[%get3A_7, %get3A_8] : memref<128x128xf32, #tpu.memory_space<vmem>>, vector<128x128xf32>
    %dot_general3A = arith.constant dense<0.000000e+00> : vector<1000x128xf32>
    %dot_general3A_10 = tpu.matmul %get3A_6, %get3A_9, %dot_general3A {dimension_numbers = #tpu.dot_dimension_numbers<[1], [0], [0], [1], [0, 0, 1, 1], [], []>, transpose_lhs_hint = false} : vector<1000x128xf32>, vector<128x128xf32>, vector<1000x128xf32> -> vector<1000x128xf32>
    %mul3A = vector.broadcast %rsqrt3A : vector<1000x1xf32> to vector<1000x128xf32>
    %mul3A_11 = arith.mulf %dot_general3A_10, %mul3A : vector<1000x128xf32>
    %swap3A = arith.constant 0 : index
    %swap3A_12 = arith.constant 0 : index
    %swap3A_13 = vector.load %arg4[%swap3A, %swap3A_12] : memref<1000x128xf32, #tpu.memory_space<vmem>>, vector<1000x128xf32>
    tpu.vector_store %arg4[%swap3A, %swap3A_12], %mul3A_11 {strides = array<i32>} : memref<1000x128xf32, #tpu.memory_space<vmem>>, vector<1000x128xf32>,
    return
  }
  func.func @transform_0(%arg0: i32) -> (i32, i32) {
    %c0_i32 = arith.constant 0 : i32
    %c0_i32_0 = arith.constant 0 : i32
    return %arg0, %c0_i32 : i32, i32
  }
  func.func @transform_1(%arg0: i32) -> (i32, i32) {
    %c0_i32 = arith.constant 0 : i32
    %c0_i32_0 = arith.constant 0 : i32
    %c0_i32_1 = arith.constant 0 : i32
    return %c0_i32, %c0_i32_0 : i32, i32
  }
  func.func @transform_2(%arg0: i32) -> (i32, i32) {
    %c0_i32 = arith.constant 0 : i32
    %c0_i32_0 = arith.constant 0 : i32
    return %arg0, %c0_i32 : i32, i32
  }
  func.func @transform_3(%arg0: i32) -> (i32, i32) {
    %c0_i32 = arith.constant 0 : i32
    %c0_i32_0 = arith.constant 0 : i32
    return %arg0, %c0_i32 : i32, i32
  }
}

module attributes {stable_mosaic.version = 14 : i64} {
  func.func @_tc2_body(%arg0: i32, %arg1: memref<1000x128xf32, #tpu.memory_space<vmem>>, %arg2: memref<1000x128xf32, #tpu.memory_space<vmem>>, %arg3: memref<1000x128xf32, #tpu.memory_space<vmem>>, %arg4: memref<128xf32, #tpu.memory_space<vmem>>, %arg5: memref<128xf32, #tpu.memory_space<vmem>>, %arg6: memref<1000x128xf32, #tpu.memory_space<vmem>>) attributes {dimension_semantics = [#tpu.dimension_semantics<arbitrary>], iteration_bounds = array<i64: 10>, scalar_prefetch = 0 : i64, scratch_operands = 0 : i64, tpu.core_type = #tpu.core_type<tc>, window_params = [{transform_indices = @transform_0, window_bounds = array<i64: 1000, 128>}, {transform_indices = @transform_1, window_bounds = array<i64: 1000, 128>}, {transform_indices = @transform_2, window_bounds = array<i64: 1000, 128>}, {pipeline_mode = #tpu.pipeline_mode<synchronous>, transform_indices = @transform_3, window_bounds = array<i64: 128>}, {pipeline_mode = #tpu.pipeline_mode<synchronous>, transform_indices = @transform_4, window_bounds = array<i64: 128>}, {transform_indices = @transform_5, window_bounds = array<i64: 1000, 128>}]} {
    %get3A = arith.constant 0 : index
    %get3A_0 = arith.constant 0 : index
    %get3A_1 = vector.load %arg3[%get3A, %get3A_0] : memref<1000x128xf32, #tpu.memory_space<vmem>>, vector<1000x1xf32>
    %add3A = arith.constant 1.000000e+00 : f32
    %add3A_2 = vector.broadcast %add3A : f32 to vector<1000x1xf32>
    %add3A_3 = arith.addf %get3A_1, %add3A_2 : vector<1000x1xf32>
    %rsqrt3A = math.rsqrt %add3A_3 : vector<1000x1xf32>
    %get3A_4 = arith.constant 0 : index
    %get3A_5 = arith.constant 0 : index
    %get3A_6 = vector.load %arg1[%get3A_4, %get3A_5] : memref<1000x128xf32, #tpu.memory_space<vmem>>, vector<1000x128xf32>
    %get3A_7 = arith.constant 0 : index
    %get3A_8 = arith.constant 0 : index
    %get3A_9 = vector.load %arg2[%get3A_7, %get3A_8] : memref<1000x128xf32, #tpu.memory_space<vmem>>, vector<1000x128xf32>
    %add3A_10 = arith.addf %get3A_6, %get3A_9 : vector<1000x128xf32>
    %mul3A = vector.broadcast %rsqrt3A : vector<1000x1xf32> to vector<1000x128xf32>
    %mul3A_11 = arith.mulf %add3A_10, %mul3A : vector<1000x128xf32>
    %get3A_12 = arith.constant 0 : index
    %get3A_13 = vector.load %arg4[%get3A_12] : memref<128xf32, #tpu.memory_space<vmem>>, vector<128xf32>
    %broadcast_in_dim3A = vector.shape_cast %get3A_13 : vector<128xf32> to vector<1x128xf32>
    %add3A_14 = vector.broadcast %broadcast_in_dim3A : vector<1x128xf32> to vector<1000x128xf32>
    %add3A_15 = arith.addf %mul3A_11, %add3A_14 : vector<1000x128xf32>
    %ge3A = arith.constant 0.000000e+00 : f32
    %ge3A_16 = vector.broadcast %ge3A : f32 to vector<1000x128xf32>
    %ge3A_17 = arith.cmpf oge, %add3A_15, %ge3A_16 : vector<1000x128xf32>
    %get3A_18 = arith.constant 0 : index
    %get3A_19 = vector.load %arg5[%get3A_18] : memref<128xf32, #tpu.memory_space<vmem>>, vector<128xf32>
    %broadcast_in_dim3A_20 = vector.shape_cast %get3A_19 : vector<128xf32> to vector<1x128xf32>
    %mul3A_21 = vector.broadcast %broadcast_in_dim3A_20 : vector<1x128xf32> to vector<1000x128xf32>
    %mul3A_22 = arith.mulf %add3A_15, %mul3A_21 : vector<1000x128xf32>
    %select_n3A = arith.select %ge3A_17, %add3A_15, %mul3A_22 : vector<1000x128xi1>, vector<1000x128xf32>
    %swap3A = arith.constant 0 : index
    %swap3A_23 = arith.constant 0 : index
    %swap3A_24 = vector.load %arg6[%swap3A, %swap3A_23] : memref<1000x128xf32, #tpu.memory_space<vmem>>, vector<1000x128xf32>
    tpu.vector_store %arg6[%swap3A, %swap3A_23], %select_n3A {strides = array<i32>} : memref<1000x128xf32, #tpu.memory_space<vmem>>, vector<1000x128xf32>,
    return
  }
  func.func @transform_0(%arg0: i32) -> (i32, i32) {
    %c0_i32 = arith.constant 0 : i32
    %c0_i32_0 = arith.constant 0 : i32
    return %arg0, %c0_i32 : i32, i32
  }
  func.func @transform_1(%arg0: i32) -> (i32, i32) {
    %c0_i32 = arith.constant 0 : i32
    %c0_i32_0 = arith.constant 0 : i32
    return %arg0, %c0_i32 : i32, i32
  }
  func.func @transform_2(%arg0: i32) -> (i32, i32) {
    %c0_i32 = arith.constant 0 : i32
    %c0_i32_0 = arith.constant 0 : i32
    return %arg0, %c0_i32 : i32, i32
  }
  func.func @transform_3(%arg0: i32) -> i32 {
    %c0_i32 = arith.constant 0 : i32
    %c0_i32_0 = arith.constant 0 : i32
    return %c0_i32 : i32
  }
  func.func @transform_4(%arg0: i32) -> i32 {
    %c0_i32 = arith.constant 0 : i32
    %c0_i32_0 = arith.constant 0 : i32
    return %c0_i32 : i32
  }
  func.func @transform_5(%arg0: i32) -> (i32, i32) {
    %c0_i32 = arith.constant 0 : i32
    %c0_i32_0 = arith.constant 0 : i32
    return %arg0, %c0_i32 : i32, i32
  }
}

</mosaic_0001>

<sc_bundles>
// kernel: kernel.10.cloned.1.call-start
scs
__scs_entry_jumppad:
0x0: {  	(pc) =	sbr.rel $0x88, $3  }
0x1: {  	(tag) =	ssettag $0x0;
	lr =	simm.s32 $0x1  }
0x2: {  	[smem:$0x3F9C] =	sst lr;
	_ =	strace $0xD0000000  }
0x3: {  	_ = 	snop  }
0x4: {  	_ = 	snop  }
0x5: {  	_ = 	snop  }
0x6: {  	_ = 	snop  }
0x7: {  	_ = 	snop  }
__scs_overlays_trampoline_lowered:
0x8: {  	[smem:$0x3FAB] =	sst s0  }
0x9: {  	[smem:$0x3FAC] =	sst s1  }
0xa: {  	[smem:$0x3FAD] =	sst s2  }
0xb: {  	[smem:$0x3FAE] =	sst s3  }
0xc: {  	[smem:$0x3FAF] =	sst s4  }
0xd: {  	[smem:$0x3FB0] =	sst s5  }
0xe: {  	[smem:$0x3FB1] =	sst s6  }
0xf: {  	[smem:$0x3FB2] =	sst s7  }
0x10: {  	[smem:$0x3FB3] =	sst s8  }
0x11: {  	[smem:$0x3FB4] =	sst s9;
	s0 =	simm.s32 @!p0 $0x0  }
0x12: {  	s1 =	sld [smem:$0x3F9A];
	s0 =	simm.s32 @p0 $0x1  }
0x13: {  	[smem:$0x3FB5] =	sst s0;
	s0 =	simm.s32 @!p1 $0x0  }
0x14: {  	s2 =	sld [smem:$0x3F99];
	s0 =	simm.s32 @p1 $0x1  }
0x15: {  	[smem:$0x3FB6] =	sst s0;
	s0 =	simm.s32 @!p2 $0x0  }
0x16: {  	s3 =	sld [smem:$0x3FDB];
	s0 =	simm.s32 @p2 $0x1  }
0x17: {  	s4 =	simm.s32 $0x1BF5;
	[smem:$0x3FB8] =	sst s0  }
0x18: {  	s0 =	sld [smem:$0x3F9B];
	_ =	swait.ge [sflag:s4], $0x0  }
0x19: {  	s7 =	sld [smem:$0x3F9C]  }
0x1a: {  	s8 =	sadd.s32 $0xFFFFE003, lr  }
0x1b: {  	s9 =	sadd.s32 $0xFFFFFEF7, lr;
	s5 =	simm.s32 $0xFFFFFFFF;
	p2 =	slt.u32 s8, $0xFFFFF086  }
0x1c: {  	p1 =	slt.u32 s9, $0xF7A;
	s5 =	simm.s32 @!p2 $0x0  }
0x1d: {  	s5 =	simm.s32 @p1 $0x1;
	p0 =	seq.s32 s7, s2  }
0x1e: {  	s7 =	smul.u32 @!p0 $0xF7A, s2;
	p2 =	seq.s32 @!p0 s5, $0x0  }
0x1f: {  	s9 =	smul.u32 $0xF7A, s1;
	s8 =	simm.s32 @!p0 $0x1BF5;
	p2 =	por !p2, p0  }
0x20: {  	[sflag:s8] =	ssyncset.s32 @!p0 $0xFFFFF086;
	s6 =	sadd.s32 @!p0 s3, s7;
	s7 =	simm.s32 @!p0 $0x108  }
0x21: {  	s3 =	sadd.s32 s3, s9;
	s6 =	sadd.s32 @!p0 $0x88, s6;
	s7 =	simm.s32 @p2 $0x1082  }
0x22: {  	[simem:s7], [sflag:s8] =	dma.local @!p0 [hbm:s6], $0xF7A  }
0x23: {  	s9 =	sor.u32 $0xD0000000, s2;
	s6 =	simm.s32 $0x108;
	_ =	swait.ge @!p0 [sflag:s8], $0x0  }
0x24: {  	s3 =	sadd.s32 $0x88, s3;
	s6 =	simm.s32 @!p1 $0x1082;
	[sflag:s4] =	ssyncset.s32 $0xFFFFF086  }
0x25: {  	[simem:s6], [sflag:s4] =	dma.local [hbm:s3], $0xF7A  }
0x26: {  	[smem:$0x3F9C] =	sst s1;
	(tag) =	ssettag s2;
	_ =	strace s9  }
0x27: {  	s1 =	sld [smem:$0x3FAC]  }
0x28: {  	s2 =	sld [smem:$0x3FAD]  }
0x29: {  	s4 =	sld [smem:$0x3FAF]  }
0x2a: {  	p0 =	seq.s32 s5, $0x0;
	s5 =	sld [smem:$0x3FB0]  }
0x2b: {  	s6 =	sld [smem:$0x3FB1]  }
0x2c: {  	s7 =	sld [smem:$0x3FB2]  }
0x2d: {  	s3 =	simm.s32 $0x108;
	s8 =	sld [smem:$0x3FB3]  }
0x2e: {  	s3 =	simm.s32 @!p0 $0x1082;
	s9 =	sld [smem:$0x3FB4]  }
0x2f: {  	lr =	sadd.s32 s0, s3;
	s0 =	sld [smem:$0x3FAB]  }
0x30: {  	s3 =	sld [smem:$0x3FAE]  }
0x31: {  	[smem:$0x3FB7] =	sst s10  }
0x32: {  	s10 =	sld [smem:$0x3FB5];
	_ =	sdelay $0x3  }
0x33: {  	p0 =	seq.s32 s10, $0x1;
	s10 =	sld [smem:$0x3FB7];
	_ =	sdelay $0x3  }
0x34: {  	[smem:$0x3FB7] =	sst s10  }
0x35: {  	s10 =	sld [smem:$0x3FB6];
	_ =	sdelay $0x3  }
0x36: {  	p1 =	seq.s32 s10, $0x1;
	s10 =	sld [smem:$0x3FB7];
	_ =	sdelay $0x3  }
0x37: {  	[smem:$0x3FB7] =	sst s10  }
0x38: {  	s10 =	sld [smem:$0x3FB8]  }
0x39: {  	_ = 	snop;
	(pc) =	sbr.ind lr, $3  }
0x3a: {  	_ = 	snop  }
0x3b: {  	_ = 	snop  }
0x3c: {  	p2 =	seq.s32 s10, $0x1;
	s10 =	sld [smem:$0x3FB7]  }
0x3d: {  	_ =	shalt  }
0x3e: {  	_ =	shalt  }
0x3f: {  	_ =	shalt  }
0x40: {  	_ =	shalt  }
0x41: {  	_ =	shalt  }
0x42: {  	_ =	shalt  }
0x43: {  	_ =	shalt  }
0x44: {  	_ =	shalt  }
0x45: {  	_ =	shalt  }
0x46: {  	_ =	shalt  }
0x47: {  	_ =	shalt  }
0x48: {  	_ =	shalt  }
0x49: {  	_ =	shalt  }
0x4a: {  	_ =	shalt  }
0x4b: {  	_ =	shalt  }
0x4c: {  	_ =	shalt  }
0x4d: {  	_ =	shalt  }
0x4e: {  	_ =	shalt  }
0x4f: {  	_ =	shalt  }
0x50: {  	_ =	shalt  }
0x51: {  	_ =	shalt  }
0x52: {  	_ =	shalt  }
0x53: {  	_ =	shalt  }
0x54: {  	_ =	shalt  }
0x55: {  	_ =	shalt  }
0x56: {  	_ =	shalt  }
0x57: {  	_ =	shalt  }
0x58: {  	_ =	shalt  }
0x59: {  	_ =	shalt  }
0x5a: {  	_ =	shalt  }
0x5b: {  	_ =	shalt  }
0x5c: {  	_ =	shalt  }
0x5d: {  	_ =	shalt  }
0x5e: {  	_ =	shalt  }
0x5f: {  	_ =	shalt  }
0x60: {  	_ =	shalt  }
0x61: {  	_ =	shalt  }
0x62: {  	_ =	shalt  }
0x63: {  	_ =	shalt  }
0x64: {  	_ =	shalt  }
0x65: {  	_ =	shalt  }
0x66: {  	_ =	shalt  }
0x67: {  	_ =	shalt  }
0x68: {  	_ =	shalt  }
0x69: {  	_ =	shalt  }
0x6a: {  	_ =	shalt  }
0x6b: {  	_ =	shalt  }
0x6c: {  	_ =	shalt  }
0x6d: {  	_ =	shalt  }
0x6e: {  	_ =	shalt  }
0x6f: {  	_ =	shalt  }
0x70: {  	_ =	shalt  }
0x71: {  	_ =	shalt  }
0x72: {  	_ =	shalt  }
0x73: {  	_ =	shalt  }
0x74: {  	_ =	shalt  }
0x75: {  	_ =	shalt  }
0x76: {  	_ =	shalt  }
0x77: {  	_ =	shalt  }
0x78: {  	_ =	shalt  }
0x79: {  	_ =	shalt  }
0x7a: {  	_ =	shalt  }
0x7b: {  	_ =	shalt  }
0x7c: {  	_ =	shalt  }
0x7d: {  	_ =	shalt  }
0x7e: {  	_ =	shalt  }
0x7f: {  	_ =	shalt  }
0x80: {  	_ =	shalt  }
0x81: {  	_ =	shalt  }
0x82: {  	_ =	shalt  }
0x83: {  	_ =	shalt  }
0x84: {  	_ =	shalt  }
0x85: {  	_ =	shalt  }
0x86: {  	_ =	shalt  }
0x87: {  	_ =	shalt  }
.Lfunc_end0:
.L_simem_size_0:
called_computation.1_lowered:
.L_overlay_start_0:
0x88: {  	s2 =	sld [smem:$0x3FD9]  }
0x89: {  	s3 =	sld [smem:$0x3FFE];
	_ =	sdelay $0x1  }
0x8a: {  	s1 =	srdreg.scid  }
0x8b: {  	s0 =	sand.u32 $0x1, s1  }
0x8c: {  	s17 =	sshll.u32 s0, $0xA;
	s2 =	sadd.s32 s3, s2  }
0x8d: {  	s2 =	sadd.s32 s2, s17  }
0x8e: {  	[smem:$0x3FC3] =	sst s2  }
0x8f: {  	_ = 	snop  }
0x90: {  	s2 =	sld [smem:$0x3FD0];
	(tm) =	ssettm $0x1  }
0x91: {  	s18 =	sld [smem:$0x3FFB];
	_ =	sdelay $0x3  }
0x92: {  	_ =	strace s18  }
0x93: {  	s3 =	sld [smem:$0x3FFC];
	_ =	sdelay $0x3  }
0x94: {  	_ =	strace s3  }
0x95: {  	s3 =	sld [smem:$0x3FFD];
	_ =	sdelay $0x3  }
0x96: {  	_ =	strace s3  }
0x97: {  	_ =	strace $0x8FFFFFFF  }
0x98: {  	s19 =	sld [smem:$0x3FDB];
	_ =	sdelay $0x1  }
0x99: {  	s4 =	simm.s32 $_scs_section_size  }
0x9a: {  	s5 =	simm.s32 $_size__tile_overlayer_lowered;
	s6 =	simm.s32 $_tile_overlayer_lowered  }
0x9b: {  	s22 =	simm.s32 $0x1BFF;
	s21 =	sshll.u32 s6, $0x1;
	s3 =	sadd.s32 s4, s19  }
0x9c: {  	s7 =	simm.s32 $0x0;
	s20 =	sshll.u32 s5, $0x1;
	s5 =	sadd.s32 s21, s3  }
0x9d: {  	[timem:s7], [sflag:s22] =	dma.local [hbm:s5], s20  }
0x9e: {  	_ =	swait.ge [sflag:s22], s20  }
0x9f: {  	s4 =	ssub.s32 $0x0, s20;
	[sflag:s22] =	ssyncset.done $0x0  }
0xa0: {  	[sflag:s22] =	ssyncadd.s32 s4;
	_ =	sdelay $0x1  }
0xa1: {  	s23 =	simm.s32 $0x1B8B  }
0xa2: {  	_ =	swait.ge [sflag:s23], $0x1  }
0xa3: {  	[sflag:s23] =	ssyncset.done $0x0  }
0xa4: {  	s25 =	simm.s32 $0x1B8E;
	s24 =	sld [smem:$0x3FFE];
	[sflag:s23] =	ssyncadd.s32 $0xFFFFFFFF  }
0xa5: {  	s26 =	simm.s32 $execute0_lowered;
	[smem:$0x3FD2] =	sst s25  }
0xa6: {  	s5 =	sshll.u32 s26, $0x1;
	_ =	strace $0x80000049;
	[dreg:$0x1] =	wrdreg $0xFFFFFFFF  }
0xa7: {  	s28 =	simm.s32 $_size_execute0_lowered;
	s3 =	sadd.s32 s3, s5;
	[dreg:$0x0] =	wrdreg $0x0  }
0xa8: {  	s5 =	sshll.u32 s28, $0x1;
	[dreg:$0x2] =	wrdreg s3  }
0xa9: {  	[dreg:$0x3] =	wrdreg s5  }
0xaa: {  	[dreg:$0x4] =	wrdreg $0xC0  }
0xab: {  	_ =	task [dreg:s7], $0x5FFFF  }
0xac: {  	[dreg:$0x1] =	wrdreg $0xFFFFFFFF  }
0xad: {  	[dreg:$0x0] =	wrdreg $0x60  }
0xae: {  	[dreg:$0x2] =	wrdreg s2  }
0xaf: {  	[dreg:$0x3] =	wrdreg s24  }
0xb0: {  	[dreg:$0x4] =	wrdreg $0x160000  }
0xb1: {  	[dreg:$0x5] =	wrdreg $0x9  }
0xb2: {  	_ =	task.clear_ibuf [dreg:s7], $0x6FFFF;
	_ =	strace $0x90000049  }
0xb3: {  	s29 =	simm.s32 $0x9;
	_ =	strace $0x8000004B  }
0xb4: {  	_ =	swait.ge [sflag:s29], $0x1  }
0xb5: {  	[sflag:s29] =	ssyncadd.s32 $0xFFFFFFFF  }
0xb6: {  	_ =	strace $0x9000004B  }
0xb7: {  	_ =	sfence  }
0xb8: {  	s30 =	sld [smem:$0x0];
	_ =	sdelay $0x2  }
0xb9: {  	s31 =	sshll.u32 s1, $0xD;
	s1 =	sshrl.u32 s1, $0x2  }
0xba: {  	s3 =	sand.u32 $0x4000, s31;
	s1 =	sadd.s32 s1, s30  }
0xbb: {  	s0 =	sor.u32 s3, s0;
	s1 =	sshll.u32 s1, $0x11  }
0xbc: {  	s0 =	sor.u32 s1, s0  }
0xbd: {  	s0 =	sadd.s32 $0x8F2B, s0  }
0xbe: {  	[sflag:s0] =	ssyncadd.remote.s32 $0x1  }
0xbf: {  	_ =	sfence.sel $0xFFFF  }
0xc0: {  	[dreg:$0x0] =	wrdreg $0xFFFFFFFF;
	(pc) =	sbr.abs _section_cstart, $3  }
0xc1: {  	[dreg:$0x1] =	wrdreg $0xFFFFFFFF  }
0xc2: {  	_ =	task.clear_ibuf [dreg:s7], $0x2FFFF;
	_ =	strace $0x9FFFFFFF  }
0xc3: {  	(tm) =	ssettm $0x7FFFFFFF  }
tec
execute0_lowered:
.L_overlay_start_1:
0x0: {  	(tag) =	ssettag $0x1  }
0x1: {  	s1 =	rddreg [dreg:$0x0]  }
0x2: {  	s6 =	rddreg [dreg:$0x1]  }
0x3: {  	s0 =	stileid.u32;
	s2 =	srdreg.scid  }
0x4: {  	s3 =	rddreg [dreg:$0x2];
	s5 =	smul.u32 $0x5000, s0  }
0x5: {  	s4 =	simm.s32 $0x0;
	s19 =	simm.s32 $0xE000;
	s9 =	smul.u32 $0x27E00, s0  }
0x6: {  	s20 =	simm.s32 $0x1;
	s21 =	simm.s32 $0x2;
	s15 =	smul.u32 $0x6400, s0  }
0x7: {  	s22 =	simm.s32 $0x4E80;
	s7 =	sand.u32 $0x1, s2;
	s16 =	smul.u32 $0x19000, s0  }
0x8: {  	s23 =	simm.s32 $0x9E00;
	s28 =	simm.s32 $0x0;
	s8 =	smul.u32 $0x50000, s7  }
0x9: {  	[smem:$0x7FF] =	sst s4;
	s17 =	sor.u32 $0x10, s0;
	s13 =	smul.u32 $0x9C400, s7  }
0xa: {  	s12 =	sadd.s32 $0x20800, s6;
	p0 =	sgt.u32 s0, $0x8;
	s18 =	smul.u32 $0x6400, s17  }
0xb: {  	_ =	strace $0x8000004A;
	s25 =	ssub.s32 $0x2, s7;
	s31 =	smul.u32 $0x19000, s17  }
0xc: {  	s17 =	simm.s32 $0x80;
	s26 =	sshrl.u32 s9, $0x2;
	s29 =	sshrl.u32 s25, $0x1  }
0xd: {  	s16 =	sshrl.u32 s16, $0x2;
	s8 =	sadd.s32 s5, s8;
	s5 =	sshrl.u32 s5, $0x3  }
0xe: {  	s14 =	ssub.s32 s25, s29;
	s15 =	sadd.s32 s15, s13;
	s13 =	sadd.s32 s13, s18  }
0xf: {  	s24 =	sadd.s32 s16, s3;
	s18 =	simm.s32 $0xA000;
	s16 =	stileid.u32  }
0x10: {  	s8 =	sshrl.u32 s8, $0x3;
	s10 =	sadd.s32 s5, s6;
	s5 =	sadd.s32 $0x15800, s6  }
0x11: {  	s30 =	sshrl.u32 s15, $0x3;
	s13 =	sshrl.u32 s13, $0x3;
	s15 =	sshrl.u32 s31, $0x2  }
0x12: {  	s24 =	sshrl.u32 s24, $0x3;
	s11 =	sadd.s32 s8, s6;
	s6 =	sadd.s32 s26, s3  }
0x13: {  	s9 =	sadd.s32 $0x16800, s10;
	s25 =	sadd.s32 s15, s3;
	s15 =	simm.s32 $0x3  }
0x14: {  	s26 =	simm.s32 $0x9E80;
	s7 =	sadd.s32 $0x4000, s6;
	s8 =	sadd.s32 $0x8000, s6  }
0x15: {  	s10 =	sadd.s32 $0x1800, s11;
	s11 =	sadd.s32 s12, s30;
	s12 =	sadd.s32 s12, s13  }
0x16: {  	s13 =	smax.u32 s14, $0x1;
	s14 =	simm.s32 $0x12000;
	s25 =	sshrl.u32 @!p0 s25, $0x3  }
.LBB2_1:
0x17: {  	[tilespmem:s14], [sflag:$0x3] =	stream.linear.gather [hbm4b:s5+s4], $0x4000, $0x38;
	[tilespmem:$0x1FF80] =	vst v63  }
0x18: {  	_ =	swait.ge [sflag:s15], $0x4000  }
0x19: {  	[sflag:s15] =	ssyncset.done $0x0  }
0x1a: {  	[sflag:s15] =	ssyncadd.s32 $0xFFFFC000  }
0x1b: {  	[spmem:s6] =	stream.linear.scatter [tilespmem:s14], [sflag:$0x3], $0x4000, $0x38;
	[tilespmem:$0x1FF80] =	vst v63  }
0x1c: {  	_ =	swait.ge [sflag:s15], $0x4000  }
0x1d: {  	[sflag:s15] =	ssyncset.done $0x0  }
0x1e: {  	[sflag:s15] =	ssyncadd.s32 $0xFFFFC000  }
0x1f: {  	[spmem:s7] =	stream.linear.scatter [tilespmem:s14], [sflag:$0x3], $0x4000, $0x38;
	[tilespmem:$0x1FF80] =	vst v63  }
0x20: {  	_ =	swait.ge [sflag:s15], $0x4000  }
0x21: {  	[sflag:s15] =	ssyncset.done $0x0  }
0x22: {  	[sflag:s15] =	ssyncadd.s32 $0xFFFFC000  }
0x23: {  	[spmem:s8] =	stream.linear.scatter [tilespmem:s14], [sflag:$0x3], $0x1F80, $0x38;
	[tilespmem:$0x1FF80] =	vst v63  }
0x24: {  	_ =	swait.ge [sflag:s15], $0x1F80  }
0x25: {  	[sflag:s15] =	ssyncset.done $0x0  }
0x26: {  	[sflag:s15] =	ssyncadd.s32 $0xFFFFE080  }
0x27: {  	[bflag:$0x0] =	sbarrier.arrive $0xFFFF  }
0x28: {  	[tilespmem:s4], [sflag:$0x3] =	stream.linear.gather [hbm4b:s9+s4], $0x4F00, $0x38;
	[tilespmem:$0x1FF80] =	vst v63  }
0x29: {  	_ =	swait.ge [sflag:s15], $0x4F00  }
0x2a: {  	[sflag:s15] =	ssyncset.done $0x0  }
0x2b: {  	s0 =	simm.s32 $0x5000;
	[sflag:s15] =	ssyncadd.s32 $0xFFFFB100  }
0x2c: {  	[tilespmem:s0], [sflag:$0x3] =	stream.linear.gather [hbm4b:s10+s4], $0x4F00, $0x38;
	[tilespmem:$0x1FF80] =	vst v63  }
0x2d: {  	_ =	swait.ge [sflag:s15], $0x4F00  }
0x2e: {  	[sflag:s15] =	ssyncset.done $0x0  }
0x2f: {  	[sflag:s15] =	ssyncadd.s32 $0xFFFFB100  }
0x30: {  	[tilespmem:s18], [sflag:$0x1] =	stream.indirect.gather [hbm4b:s1+s17], $0x80, s4, s17, $0xb8;
	[tilespmem:$0x1FF80] =	vst v63  }
0x31: {  	s29 =	simm.s32 $0x80  }
0x32: {  	[tilespmem:s19], [sflag:$0x2] =	stream.indirect.gather [hbm4b:s1+s17], $0x80, s29, s17, $0xb8;
	[tilespmem:$0x1FF80] =	vst v63  }
0x33: {  	_ =	swait.ge [sflag:s20], $0x4000  }
0x34: {  	[sflag:s20] =	ssyncset.done $0x0  }
0x35: {  	s29 =	simm.s32 $0x5000;
	[sflag:s20] =	ssyncadd.s32 $0xFFFFC000  }
0x36: {  	[spmem:s3] =	stream.indirect.scatter.add.f32 [tilespmem:s18], [sflag:$0x3], $0x80, s29, s17, $0xb8;
	[tilespmem:$0x1FF80] =	vst v63  }
0x37: {  	_ =	swait.ge [sflag:s15], $0x4000  }
0x38: {  	[sflag:s15] =	ssyncset.done $0x0  }
0x39: {  	s29 =	simm.s32 $0x100;
	[sflag:s15] =	ssyncadd.s32 $0xFFFFC000  }
0x3a: {  	[tilespmem:s18], [sflag:$0x1] =	stream.indirect.gather [hbm4b:s1+s17], $0x80, s29, s17, $0xb8;
	[tilespmem:$0x1FF80] =	vst v63  }
0x3b: {  	_ =	swait.ge [sflag:s21], $0x4000  }
0x3c: {  	[sflag:s21] =	ssyncset.done $0x0  }
0x3d: {  	s29 =	simm.s32 $0x5080;
	[sflag:s21] =	ssyncadd.s32 $0xFFFFC000  }
0x3e: {  	[spmem:s3] =	stream.indirect.scatter.add.f32 [tilespmem:s19], [sflag:$0x3], $0x80, s29, s17, $0xb8;
	[tilespmem:$0x1FF80] =	vst v63  }
0x3f: {  	_ =	swait.ge [sflag:s15], $0x4000  }
0x40: {  	s30 =	simm.s32 $0x800;
	s29 =	simm.s32 $0x100;
	[sflag:s15] =	ssyncset.done $0x0  }
.LBB2_2:
0x41: {  	s31 =	sadd.s32 $0x80, s29  }
0x42: {  	[sflag:s15] =	ssyncadd.s32 $0xFFFFC000;
	s2 =	smov.u32 s30;
	s0 =	sadd.s32 $0x400, s30  }
0x43: {  	[tilespmem:s19], [sflag:$0x2] =	stream.indirect.gather [hbm4b:s1+s17], $0x80, s31, s17, $0xb8;
	[tilespmem:$0x1FF80] =	vst v63  }
0x44: {  	p1 =	sne.s32 s30, $0x13400;
	_ =	swait.ge [sflag:s20], $0x4000  }
0x45: {  	[sflag:s20] =	ssyncset.done $0x0  }
0x46: {  	s30 =	sadd.s32 $0x5000, s29;
	[sflag:s20] =	ssyncadd.s32 $0xFFFFC000  }
0x47: {  	[spmem:s3] =	stream.indirect.scatter.add.f32 [tilespmem:s18], [sflag:$0x3], $0x80, s30, s17, $0xb8;
	[tilespmem:$0x1FF80] =	vst v63  }
0x48: {  	_ =	swait.ge [sflag:s15], $0x4000  }
0x49: {  	[sflag:s15] =	ssyncset.done $0x0  }
0x4a: {  	s30 =	sadd.s32 $0x100, s29;
	[sflag:s15] =	ssyncadd.s32 $0xFFFFC000  }
0x4b: {  	[tilespmem:s18], [sflag:$0x1] =	stream.indirect.gather [hbm4b:s1+s17], $0x80, s30, s17, $0xb8;
	[tilespmem:$0x1FF80] =	vst v63  }
0x4c: {  	_ =	swait.ge [sflag:s21], $0x4000  }
.Ltmp0:
0x4d: {  	[sflag:s21] =	ssyncset.done $0x0;
	(pc) =	sbr.rel @p1 .LBB2_2-.Ltmp0, $4  }
0x4e: {  	s29 =	sadd.s32 $0x5080, s29;
	[sflag:s21] =	ssyncadd.s32 $0xFFFFC000  }
0x4f: {  	[spmem:s3] =	stream.indirect.scatter.add.f32 [tilespmem:s19], [sflag:$0x3], $0x80, s29, s17, $0xb8;
	[tilespmem:$0x1FF80] =	vst v63  }
0x50: {  	_ =	swait.ge [sflag:s15], $0x4000  }
0x51: {  	s30 =	smov.u32 s0;
	s29 =	sshra.s32 s2, $0x2;
	[sflag:s15] =	ssyncset.done $0x0  }
0x52: {  	s0 =	sadd.s32 $0x80, s29;
	[sflag:s15] =	ssyncadd.s32 $0xFFFFC000  }
0x53: {  	[tilespmem:s19], [sflag:$0x2] =	stream.indirect.gather [hbm4b:s1+s17], $0x80, s0, s17, $0xb8;
	[tilespmem:$0x1FF80] =	vst v63  }
0x54: {  	_ =	swait.ge [sflag:s20], $0x4000  }
0x55: {  	[sflag:s20] =	ssyncset.done $0x0  }
0x56: {  	s31 =	sadd.s32 $0x5000, s29;
	[sflag:s20] =	ssyncadd.s32 $0xFFFFC000  }
0x57: {  	[spmem:s3] =	stream.indirect.scatter.add.f32 [tilespmem:s18], [sflag:$0x3], $0x80, s31, s17, $0xb8;
	[tilespmem:$0x1FF80] =	vst v63  }
0x58: {  	_ =	swait.ge [sflag:s15], $0x4000  }
0x59: {  	[sflag:s15] =	ssyncset.done $0x0  }
0x5a: {  	s2 =	sadd.s32 $0x100, s29;
	[sflag:s15] =	ssyncadd.s32 $0xFFFFC000  }
0x5b: {  	[tilespmem:s18], [sflag:$0x1] =	stream.indirect.gather [hbm4b:s1+s17], $0x80, s2, s17, $0xb8;
	[tilespmem:$0x1FF80] =	vst v63  }
0x5c: {  	_ =	swait.ge [sflag:s21], $0x4000  }
0x5d: {  	[sflag:s21] =	ssyncset.done $0x0  }
0x5e: {  	s30 =	sadd.s32 $0x5080, s29;
	[sflag:s21] =	ssyncadd.s32 $0xFFFFC000  }
0x5f: {  	[spmem:s3] =	stream.indirect.scatter.add.f32 [tilespmem:s19], [sflag:$0x3], $0x80, s30, s17, $0xb8;
	[tilespmem:$0x1FF80] =	vst v63  }
0x60: {  	_ =	swait.ge [sflag:s15], $0x4000  }
0x61: {  	[sflag:s15] =	ssyncset.done $0x0  }
0x62: {  	[sflag:s15] =	ssyncadd.s32 $0xFFFFC000  }
0x63: {  	[tilespmem:s19], [sflag:$0x2] =	stream.indirect.gather [hbm4b:s1+s17], $0x80, s22, s17, $0xb8;
	[tilespmem:$0x1FF80] =	vst v63  }
0x64: {  	_ =	swait.ge [sflag:s20], $0x4000  }
0x65: {  	[sflag:s20] =	ssyncset.done $0x0  }
0x66: {  	[sflag:s20] =	ssyncadd.s32 $0xFFFFC000  }
0x67: {  	[spmem:s3] =	stream.indirect.scatter.add.f32 [tilespmem:s18], [sflag:$0x3], $0x80, s23, s17, $0xb8;
	[tilespmem:$0x1FF80] =	vst v63  }
0x68: {  	_ =	swait.ge [sflag:s15], $0x4000  }
0x69: {  	[sflag:s15] =	ssyncset.done $0x0  }
0x6a: {  	[sflag:s15] =	ssyncadd.s32 $0xFFFFC000  }
0x6b: {  	_ =	swait.ge [sflag:s21], $0x4000  }
0x6c: {  	[sflag:s21] =	ssyncset.done $0x0  }
0x6d: {  	[sflag:s21] =	ssyncadd.s32 $0xFFFFC000  }
0x6e: {  	[spmem:s3] =	stream.indirect.scatter.add.f32 [tilespmem:s19], [sflag:$0x3], $0x80, s26, s17, $0xb8;
	[tilespmem:$0x1FF80] =	vst v63  }
0x6f: {  	_ =	swait.ge [sflag:s15], $0x4000  }
0x70: {  	[sflag:s15] =	ssyncset.done $0x0  }
0x71: {  	s31 =	sshll.u32 s16, $0x6;
	[sflag:s15] =	ssyncadd.s32 $0xFFFFC000  }
0x72: {  	s0 =	sor.u32 $0x1C03, s31;
	[bflag:$0x0] =	sbarrier.arrive $0xFFFF  }
0x73: {  	[hbm:s11], [sflag:s0] =	dma.local [spmem:s24], $0xC80  }
0x74: {  	_ =	swait.ge [sflag:s15], $0xC80  }
0x75: {  	s28 =	sadd.s32 $0x1, s28;
	[sflag:s15] =	ssyncset.done $0x0  }
0x76: {  	p1 =	sne.s32 s28, s13;
	[sflag:s15] =	ssyncadd.s32 $0xFFFFF380  }
0x77: {  	[hbm:s12], [sflag:s0] =	dma.local @!p0 [spmem:s25], $0xC80  }
.Ltmp1:
0x78: {  	_ = 	snop;
	(pc) =	sbr.rel @p1 .LBB2_1-.Ltmp1, $4  }
0x79: {  	s0 =	simm.s32 @!p0 $0x3  }
0x7a: {  	_ =	swait.ge @!p0 [sflag:s0], $0xC80  }
0x7b: {  	[sflag:s0] =	ssyncset.done @!p0 $0x0  }
0x7c: {  	[sflag:s0] =	ssyncadd.s32 @!p0 $0xFFFFF380  }
0x7d: {  	_ =	sfence.sel $0x180000  }
0x7e: {  	[bflag:$0x0] =	sbarrier.arrive $0xFFFF  }
0x7f: {  	_ =	strace $0x9000004A  }
0x80: {  	[bflag:$0x2] =	sbarrier.arrive $0xFFFF  }
0x81: {  	p0 =	sne.s32 s16, $0x0;
	s0 =	rddreg [dreg:$0x3]  }
0x82: {  	s0 =	sadd.s32 @!p0 $0x100000, s0  }
0x83: {  	[sflag:s0] =	ssyncadd.tile.s32 @!p0 $0x1;
	_ =	shalt  }
.Lfunc_end2:
_tile_overlayer_lowered:
.L_overlay_start_2:
0x84: {  	(tag) =	ssettag $0x2  }
0x85: {  	s0 =	rddreg [dreg:$0x0];
	s2 =	stileid.u32  }
0x86: {  	s1 =	rddreg [dreg:$0x1];
	p0 =	sne.s32 s2, $0x0  }
0x87: {  	s3 =	rddreg [dreg:$0x2];
	[bflag:$0x3] =	sbarrier.arrive $0xFFFF;
	s2 =	simm.s32 @!p0 $0x1C03  }
0x88: {  	[timem:s3], [sflag:s2] =	dma.local @!p0 [hbm:s0], s1  }
0x89: {  	s0 =	simm.s32 @!p0 $0x3  }
0x8a: {  	_ =	swait.ge @!p0 [sflag:s0], s1  }
0x8b: {  	s1 =	ssub.s32 @!p0 $0x0, s1;
	[sflag:s0] =	ssyncset.done @!p0 $0x0  }
0x8c: {  	[sflag:s0] =	ssyncadd.s32 @!p0 s1  }
0x8d: {  	[bflag:$0x3] =	sbarrier.arrive $0xFFFF  }
0x8e: {  	_ =	shalt  }

// kernel: kernel.7.cloned.1.call-start
scs
__scs_entry_jumppad:
0x0: {  	(pc) =	sbr.rel $0x88, $3  }
0x1: {  	(tag) =	ssettag $0x0;
	lr =	simm.s32 $0x1  }
0x2: {  	[smem:$0x3F9C] =	sst lr;
	_ =	strace $0xD0000000  }
0x3: {  	_ = 	snop  }
0x4: {  	_ = 	snop  }
0x5: {  	_ = 	snop  }
0x6: {  	_ = 	snop  }
0x7: {  	_ = 	snop  }
__scs_overlays_trampoline_lowered:
0x8: {  	[smem:$0x3FAB] =	sst s0  }
0x9: {  	[smem:$0x3FAC] =	sst s1  }
0xa: {  	[smem:$0x3FAD] =	sst s2  }
0xb: {  	[smem:$0x3FAE] =	sst s3  }
0xc: {  	[smem:$0x3FAF] =	sst s4  }
0xd: {  	[smem:$0x3FB0] =	sst s5  }
0xe: {  	[smem:$0x3FB1] =	sst s6  }
0xf: {  	[smem:$0x3FB2] =	sst s7  }
0x10: {  	[smem:$0x3FB3] =	sst s8  }
0x11: {  	[smem:$0x3FB4] =	sst s9;
	s0 =	simm.s32 @!p0 $0x0  }
0x12: {  	s1 =	sld [smem:$0x3F9A];
	s0 =	simm.s32 @p0 $0x1  }
0x13: {  	[smem:$0x3FB5] =	sst s0;
	s0 =	simm.s32 @!p1 $0x0  }
0x14: {  	s2 =	sld [smem:$0x3F99];
	s0 =	simm.s32 @p1 $0x1  }
0x15: {  	[smem:$0x3FB6] =	sst s0;
	s0 =	simm.s32 @!p2 $0x0  }
0x16: {  	s3 =	sld [smem:$0x3FDB];
	s0 =	simm.s32 @p2 $0x1  }
0x17: {  	s4 =	simm.s32 $0x1BF5;
	[smem:$0x3FB8] =	sst s0  }
0x18: {  	s0 =	sld [smem:$0x3F9B];
	_ =	swait.ge [sflag:s4], $0x0  }
0x19: {  	s7 =	sld [smem:$0x3F9C]  }
0x1a: {  	s8 =	sadd.s32 $0xFFFFE003, lr  }
0x1b: {  	s9 =	sadd.s32 $0xFFFFFEF7, lr;
	s5 =	simm.s32 $0xFFFFFFFF;
	p2 =	slt.u32 s8, $0xFFFFF086  }
0x1c: {  	p1 =	slt.u32 s9, $0xF7A;
	s5 =	simm.s32 @!p2 $0x0  }
0x1d: {  	s5 =	simm.s32 @p1 $0x1;
	p0 =	seq.s32 s7, s2  }
0x1e: {  	s7 =	smul.u32 @!p0 $0xF7A, s2;
	p2 =	seq.s32 @!p0 s5, $0x0  }
0x1f: {  	s9 =	smul.u32 $0xF7A, s1;
	s8 =	simm.s32 @!p0 $0x1BF5;
	p2 =	por !p2, p0  }
0x20: {  	[sflag:s8] =	ssyncset.s32 @!p0 $0xFFFFF086;
	s6 =	sadd.s32 @!p0 s3, s7;
	s7 =	simm.s32 @!p0 $0x108  }
0x21: {  	s3 =	sadd.s32 s3, s9;
	s6 =	sadd.s32 @!p0 $0x88, s6;
	s7 =	simm.s32 @p2 $0x1082  }
0x22: {  	[simem:s7], [sflag:s8] =	dma.local @!p0 [hbm:s6], $0xF7A  }
0x23: {  	s9 =	sor.u32 $0xD0000000, s2;
	s6 =	simm.s32 $0x108;
	_ =	swait.ge @!p0 [sflag:s8], $0x0  }
0x24: {  	s3 =	sadd.s32 $0x88, s3;
	s6 =	simm.s32 @!p1 $0x1082;
	[sflag:s4] =	ssyncset.s32 $0xFFFFF086  }
0x25: {  	[simem:s6], [sflag:s4] =	dma.local [hbm:s3], $0xF7A  }
0x26: {  	[smem:$0x3F9C] =	sst s1;
	(tag) =	ssettag s2;
	_ =	strace s9  }
0x27: {  	s1 =	sld [smem:$0x3FAC]  }
0x28: {  	s2 =	sld [smem:$0x3FAD]  }
0x29: {  	s4 =	sld [smem:$0x3FAF]  }
0x2a: {  	p0 =	seq.s32 s5, $0x0;
	s5 =	sld [smem:$0x3FB0]  }
0x2b: {  	s6 =	sld [smem:$0x3FB1]  }
0x2c: {  	s7 =	sld [smem:$0x3FB2]  }
0x2d: {  	s3 =	simm.s32 $0x108;
	s8 =	sld [smem:$0x3FB3]  }
0x2e: {  	s3 =	simm.s32 @!p0 $0x1082;
	s9 =	sld [smem:$0x3FB4]  }
0x2f: {  	lr =	sadd.s32 s0, s3;
	s0 =	sld [smem:$0x3FAB]  }
0x30: {  	s3 =	sld [smem:$0x3FAE]  }
0x31: {  	[smem:$0x3FB7] =	sst s10  }
0x32: {  	s10 =	sld [smem:$0x3FB5];
	_ =	sdelay $0x3  }
0x33: {  	p0 =	seq.s32 s10, $0x1;
	s10 =	sld [smem:$0x3FB7];
	_ =	sdelay $0x3  }
0x34: {  	[smem:$0x3FB7] =	sst s10  }
0x35: {  	s10 =	sld [smem:$0x3FB6];
	_ =	sdelay $0x3  }
0x36: {  	p1 =	seq.s32 s10, $0x1;
	s10 =	sld [smem:$0x3FB7];
	_ =	sdelay $0x3  }
0x37: {  	[smem:$0x3FB7] =	sst s10  }
0x38: {  	s10 =	sld [smem:$0x3FB8]  }
0x39: {  	_ = 	snop;
	(pc) =	sbr.ind lr, $3  }
0x3a: {  	_ = 	snop  }
0x3b: {  	_ = 	snop  }
0x3c: {  	p2 =	seq.s32 s10, $0x1;
	s10 =	sld [smem:$0x3FB7]  }
0x3d: {  	_ =	shalt  }
0x3e: {  	_ =	shalt  }
0x3f: {  	_ =	shalt  }
0x40: {  	_ =	shalt  }
0x41: {  	_ =	shalt  }
0x42: {  	_ =	shalt  }
0x43: {  	_ =	shalt  }
0x44: {  	_ =	shalt  }
0x45: {  	_ =	shalt  }
0x46: {  	_ =	shalt  }
0x47: {  	_ =	shalt  }
0x48: {  	_ =	shalt  }
0x49: {  	_ =	shalt  }
0x4a: {  	_ =	shalt  }
0x4b: {  	_ =	shalt  }
0x4c: {  	_ =	shalt  }
0x4d: {  	_ =	shalt  }
0x4e: {  	_ =	shalt  }
0x4f: {  	_ =	shalt  }
0x50: {  	_ =	shalt  }
0x51: {  	_ =	shalt  }
0x52: {  	_ =	shalt  }
0x53: {  	_ =	shalt  }
0x54: {  	_ =	shalt  }
0x55: {  	_ =	shalt  }
0x56: {  	_ =	shalt  }
0x57: {  	_ =	shalt  }
0x58: {  	_ =	shalt  }
0x59: {  	_ =	shalt  }
0x5a: {  	_ =	shalt  }
0x5b: {  	_ =	shalt  }
0x5c: {  	_ =	shalt  }
0x5d: {  	_ =	shalt  }
0x5e: {  	_ =	shalt  }
0x5f: {  	_ =	shalt  }
0x60: {  	_ =	shalt  }
0x61: {  	_ =	shalt  }
0x62: {  	_ =	shalt  }
0x63: {  	_ =	shalt  }
0x64: {  	_ =	shalt  }
0x65: {  	_ =	shalt  }
0x66: {  	_ =	shalt  }
0x67: {  	_ =	shalt  }
0x68: {  	_ =	shalt  }
0x69: {  	_ =	shalt  }
0x6a: {  	_ =	shalt  }
0x6b: {  	_ =	shalt  }
0x6c: {  	_ =	shalt  }
0x6d: {  	_ =	shalt  }
0x6e: {  	_ =	shalt  }
0x6f: {  	_ =	shalt  }
0x70: {  	_ =	shalt  }
0x71: {  	_ =	shalt  }
0x72: {  	_ =	shalt  }
0x73: {  	_ =	shalt  }
0x74: {  	_ =	shalt  }
0x75: {  	_ =	shalt  }
0x76: {  	_ =	shalt  }
0x77: {  	_ =	shalt  }
0x78: {  	_ =	shalt  }
0x79: {  	_ =	shalt  }
0x7a: {  	_ =	shalt  }
0x7b: {  	_ =	shalt  }
0x7c: {  	_ =	shalt  }
0x7d: {  	_ =	shalt  }
0x7e: {  	_ =	shalt  }
0x7f: {  	_ =	shalt  }
0x80: {  	_ =	shalt  }
0x81: {  	_ =	shalt  }
0x82: {  	_ =	shalt  }
0x83: {  	_ =	shalt  }
0x84: {  	_ =	shalt  }
0x85: {  	_ =	shalt  }
0x86: {  	_ =	shalt  }
0x87: {  	_ =	shalt  }
.Lfunc_end0:
.L_simem_size_0:
called_computation_lowered:
.L_overlay_start_0:
0x88: {  	s2 =	sld [smem:$0x3FD9]  }
0x89: {  	s3 =	sld [smem:$0x3FFE];
	_ =	sdelay $0x1  }
0x8a: {  	s1 =	srdreg.scid  }
0x8b: {  	s0 =	sand.u32 $0x1, s1  }
0x8c: {  	s17 =	sshll.u32 s0, $0xA;
	s2 =	sadd.s32 s3, s2  }
0x8d: {  	s2 =	sadd.s32 s2, s17  }
0x8e: {  	[smem:$0x3FC3] =	sst s2  }
0x8f: {  	_ = 	snop  }
0x90: {  	s2 =	sld [smem:$0x3FD0];
	(tm) =	ssettm $0x1  }
0x91: {  	s18 =	sld [smem:$0x3FFB];
	_ =	sdelay $0x3  }
0x92: {  	_ =	strace s18  }
0x93: {  	s3 =	sld [smem:$0x3FFC];
	_ =	sdelay $0x3  }
0x94: {  	_ =	strace s3  }
0x95: {  	s3 =	sld [smem:$0x3FFD];
	_ =	sdelay $0x3  }
0x96: {  	_ =	strace s3  }
0x97: {  	_ =	strace $0x8FFFFFFF  }
0x98: {  	s19 =	sld [smem:$0x3FDB];
	_ =	sdelay $0x1  }
0x99: {  	s4 =	simm.s32 $_scs_section_size  }
0x9a: {  	s5 =	simm.s32 $_size__tile_overlayer_lowered;
	s6 =	simm.s32 $_tile_overlayer_lowered  }
0x9b: {  	s22 =	simm.s32 $0x1BFF;
	s21 =	sshll.u32 s6, $0x1;
	s3 =	sadd.s32 s4, s19  }
0x9c: {  	s7 =	simm.s32 $0x0;
	s20 =	sshll.u32 s5, $0x1;
	s5 =	sadd.s32 s21, s3  }
0x9d: {  	[timem:s7], [sflag:s22] =	dma.local [hbm:s5], s20  }
0x9e: {  	_ =	swait.ge [sflag:s22], s20  }
0x9f: {  	s4 =	ssub.s32 $0x0, s20;
	[sflag:s22] =	ssyncset.done $0x0  }
0xa0: {  	[sflag:s22] =	ssyncadd.s32 s4;
	_ =	sdelay $0x1  }
0xa1: {  	s23 =	simm.s32 $0x1B8B  }
0xa2: {  	_ =	swait.ge [sflag:s23], $0x1  }
0xa3: {  	[sflag:s23] =	ssyncset.done $0x0  }
0xa4: {  	s25 =	simm.s32 $0x1B8E;
	s24 =	sld [smem:$0x3FFE];
	[sflag:s23] =	ssyncadd.s32 $0xFFFFFFFF  }
0xa5: {  	s26 =	simm.s32 $execute0_lowered;
	[smem:$0x3FD2] =	sst s25  }
0xa6: {  	s5 =	sshll.u32 s26, $0x1;
	_ =	strace $0x80000046;
	[dreg:$0x1] =	wrdreg $0xFFFFFFFF  }
0xa7: {  	s28 =	simm.s32 $_size_execute0_lowered;
	s3 =	sadd.s32 s3, s5;
	[dreg:$0x0] =	wrdreg $0x0  }
0xa8: {  	s5 =	sshll.u32 s28, $0x1;
	[dreg:$0x2] =	wrdreg s3  }
0xa9: {  	[dreg:$0x3] =	wrdreg s5  }
0xaa: {  	[dreg:$0x4] =	wrdreg $0xC0  }
0xab: {  	_ =	task [dreg:s7], $0x5FFFF  }
0xac: {  	[dreg:$0x1] =	wrdreg $0xFFFFFFFF  }
0xad: {  	[dreg:$0x0] =	wrdreg $0x60  }
0xae: {  	[dreg:$0x2] =	wrdreg s24  }
0xaf: {  	[dreg:$0x3] =	wrdreg s2  }
0xb0: {  	[dreg:$0x4] =	wrdreg $0xD0000  }
0xb1: {  	[dreg:$0x5] =	wrdreg $0x9  }
0xb2: {  	_ =	task.clear_ibuf [dreg:s7], $0x6FFFF;
	_ =	strace $0x90000046  }
0xb3: {  	s29 =	simm.s32 $0x9;
	_ =	strace $0x80000048  }
0xb4: {  	_ =	swait.ge [sflag:s29], $0x1  }
0xb5: {  	[sflag:s29] =	ssyncadd.s32 $0xFFFFFFFF  }
0xb6: {  	_ =	strace $0x90000048  }
0xb7: {  	_ =	sfence  }
0xb8: {  	s30 =	sld [smem:$0x0];
	_ =	sdelay $0x2  }
0xb9: {  	s31 =	sshll.u32 s1, $0xD;
	s1 =	sshrl.u32 s1, $0x2  }
0xba: {  	s3 =	sand.u32 $0x4000, s31;
	s1 =	sadd.s32 s1, s30  }
0xbb: {  	s0 =	sor.u32 s3, s0;
	s1 =	sshll.u32 s1, $0x11  }
0xbc: {  	s0 =	sor.u32 s1, s0  }
0xbd: {  	s0 =	sadd.s32 $0x8F2B, s0  }
0xbe: {  	[sflag:s0] =	ssyncadd.remote.s32 $0x1  }
0xbf: {  	_ =	sfence.sel $0xFFFF  }
0xc0: {  	[dreg:$0x0] =	wrdreg $0xFFFFFFFF;
	(pc) =	sbr.abs _section_cstart, $3  }
0xc1: {  	[dreg:$0x1] =	wrdreg $0xFFFFFFFF  }
0xc2: {  	_ =	task.clear_ibuf [dreg:s7], $0x2FFFF;
	_ =	strace $0x9FFFFFFF  }
0xc3: {  	(tm) =	ssettm $0x7FFFFFFF  }
tec
execute0_lowered:
.L_overlay_start_1:
0x0: {  	(tag) =	ssettag $0x1  }
0x1: {  	s5 =	rddreg [dreg:$0x0];
	s0 =	srdreg.scid  }
0x2: {  	s11 =	rddreg [dreg:$0x1];
	s6 =	sand.u32 $0x1, s0  }
0x3: {  	s0 =	stileid.u32;
	s4 =	smul.u32 $0x50000, s6  }
0x4: {  	s2 =	rddreg [dreg:$0x2];
	s7 =	smul.u32 $0x5000, s0  }
0x5: {  	s1 =	rddreg [dreg:$0x3];
	s3 =	simm.s32 $0x0;
	s8 =	smul.u32 $0x27E00, s0  }
0x6: {  	s20 =	simm.s32 $0x0;
	[smem:$0x7FF] =	sst s3;
	s29 =	smul.u32 $0x9C400, s6  }
0x7: {  	_ =	strace $0x80000047;
	s26 =	ssub.s32 $0x2, s6;
	s13 =	smul.u32 $0x6400, s0  }
0x8: {  	s14 =	sor.u32 $0x10, s0;
	s16 =	smul.u32 $0x19000, s0;
	s17 =	sshll.u32 s0, $0x6  }
0x9: {  	p0 =	sgt.u32 s0, $0x8;
	s10 =	sshrl.u32 s26, $0x1;
	s15 =	smul.u32 $0x6400, s14  }
0xa: {  	s14 =	smul.u32 $0x19000, s14;
	s17 =	sor.u32 $0x1C01, s17;
	s4 =	sadd.s32 s7, s4  }
0xb: {  	s12 =	ssub.s32 s26, s10;
	s28 =	sshrl.u32 s8, $0x2;
	s13 =	sadd.s32 s13, s29  }
0xc: {  	s30 =	sshrl.u32 s16, $0x2;
	s16 =	simm.s32 $0x80;
	s4 =	sshrl.u32 s4, $0x3  }
0xd: {  	s6 =	sadd.s32 s28, s2;
	s13 =	sshrl.u32 s13, $0x3;
	s15 =	sadd.s32 s29, s15  }
0xe: {  	s18 =	sadd.s32 s30, s2;
	s31 =	sshrl.u32 s14, $0x2;
	s12 =	smax.u32 s12, $0x1  }
0xf: {  	s14 =	simm.s32 $0x1;
	s9 =	sadd.s32 s4, s5;
	s4 =	sadd.s32 $0x16000, s5  }
0x10: {  	s5 =	sadd.s32 $0x15800, s5;
	s7 =	sadd.s32 $0x4000, s6;
	s8 =	sadd.s32 $0x8000, s6  }
0x11: {  	s10 =	sadd.s32 s11, s13;
	s15 =	sshrl.u32 s15, $0x3;
	s19 =	sadd.s32 s31, s2  }
0x12: {  	s13 =	simm.s32 $0x9000;
	s18 =	sshrl.u32 s18, $0x3;
	s9 =	sadd.s32 $0x1800, s9  }
0x13: {  	s11 =	sadd.s32 s11, s15;
	s15 =	simm.s32 $0x5000;
	s19 =	sshrl.u32 @!p0 s19, $0x3  }
.LBB2_1:
0x14: {  	[tilespmem:s13], [sflag:$0x1] =	stream.linear.gather [hbm4b:s5+s3], $0x4000, $0x38;
	[tilespmem:$0x16F80] =	vst v63  }
0x15: {  	_ =	swait.ge [sflag:s14], $0x4000  }
0x16: {  	[sflag:s14] =	ssyncset.done $0x0  }
0x17: {  	[sflag:s14] =	ssyncadd.s32 $0xFFFFC000  }
0x18: {  	[spmem:s6] =	stream.linear.scatter [tilespmem:s13], [sflag:$0x1], $0x4000, $0x38;
	[tilespmem:$0x16F80] =	vst v63  }
0x19: {  	_ =	swait.ge [sflag:s14], $0x4000  }
0x1a: {  	[sflag:s14] =	ssyncset.done $0x0  }
0x1b: {  	[sflag:s14] =	ssyncadd.s32 $0xFFFFC000  }
0x1c: {  	[spmem:s7] =	stream.linear.scatter [tilespmem:s13], [sflag:$0x1], $0x4000, $0x38;
	[tilespmem:$0x16F80] =	vst v63  }
0x1d: {  	_ =	swait.ge [sflag:s14], $0x4000  }
0x1e: {  	[sflag:s14] =	ssyncset.done $0x0  }
0x1f: {  	[sflag:s14] =	ssyncadd.s32 $0xFFFFC000  }
0x20: {  	[spmem:s8] =	stream.linear.scatter [tilespmem:s13], [sflag:$0x1], $0x1F80, $0x38;
	[tilespmem:$0x16F80] =	vst v63  }
0x21: {  	_ =	swait.ge [sflag:s14], $0x1F80  }
0x22: {  	[sflag:s14] =	ssyncset.done $0x0  }
0x23: {  	[sflag:s14] =	ssyncadd.s32 $0xFFFFE080  }
0x24: {  	[tilespmem:s15], [sflag:$0x1] =	stream.linear.gather [hbm4b:s4+s3], $0x4000, $0x38;
	[tilespmem:$0x16F80] =	vst v63  }
0x25: {  	_ =	swait.ge [sflag:s14], $0x4000  }
0x26: {  	[sflag:s14] =	ssyncset.done $0x0  }
0x27: {  	[sflag:s14] =	ssyncadd.s32 $0xFFFFC000  }
0x28: {  	[bflag:$0x0] =	sbarrier.arrive $0xFFFF  }
0x29: {  	[tilespmem:s3], [sflag:$0x1] =	stream.linear.gather [hbm4b:s9+s3], $0x4F00, $0x38;
	[tilespmem:$0x16F80] =	vst v63  }
0x2a: {  	_ =	swait.ge [sflag:s14], $0x4F00  }
0x2b: {  	[sflag:s14] =	ssyncset.done $0x0  }
0x2c: {  	s21 =	simm.s32 $0x0;
	[sflag:s14] =	ssyncadd.s32 $0xFFFFB100  }
0x2d: {  	[spmem:s2] =	stream.indirect.scatter.add.f32 [tilespmem:s15], [sflag:$0x1], $0x80, s21, s16, $0xb8;
	[tilespmem:$0x16F80] =	vst v63  }
0x2e: {  	_ =	swait.ge [sflag:s14], $0x4000  }
0x2f: {  	s21 =	simm.s32 $0x200;
	[sflag:s14] =	ssyncset.done $0x0  }
.LBB2_2:
0x30: {  	s22 =	sshra.s32 s21, $0x2;
	[sflag:s14] =	ssyncadd.s32 $0xFFFFC000;
	p1 =	sne.s32 s21, $0x13A00  }
0x31: {  	[spmem:s2] =	stream.indirect.scatter.add.f32 [tilespmem:s15], [sflag:$0x1], $0x80, s22, s16, $0xb8;
	[tilespmem:$0x16F80] =	vst v63  }
.Ltmp0:
0x32: {  	_ = 	snop;
	(pc) =	sbr.rel @p1 .LBB2_2-.Ltmp0, $4  }
0x33: {  	_ = 	snop  }
0x34: {  	s21 =	sadd.s32 $0x200, s21  }
0x35: {  	_ =	swait.ge [sflag:s14], $0x4000  }
0x36: {  	[sflag:s14] =	ssyncset.done $0x0  }
0x37: {  	[sflag:s14] =	ssyncadd.s32 $0xFFFFC000  }
0x38: {  	[bflag:$0x0] =	sbarrier.arrive $0xFFFF  }
0x39: {  	[hbm:s10], [sflag:s17] =	dma.local [spmem:s18], $0xC80  }
0x3a: {  	s20 =	sadd.s32 $0x1, s20;
	_ =	swait.ge [sflag:s14], $0xC80  }
0x3b: {  	p1 =	sne.s32 s20, s12;
	[sflag:s14] =	ssyncset.done $0x0  }
.Ltmp1:
0x3c: {  	s21 =	simm.s32 @!p0 $0x1;
	[sflag:s14] =	ssyncadd.s32 $0xFFFFF380;
	(pc) =	sbr.rel @p1 .LBB2_1-.Ltmp1, $4  }
0x3d: {  	[hbm:s11], [sflag:s17] =	dma.local @!p0 [spmem:s19], $0xC80  }
0x3e: {  	_ =	swait.ge @!p0 [sflag:s21], $0xC80  }
0x3f: {  	[sflag:s21] =	ssyncset.done @!p0 $0x0  }
0x40: {  	[sflag:s21] =	ssyncadd.s32 @!p0 $0xFFFFF380  }
0x41: {  	_ =	sfence.sel $0x180000  }
0x42: {  	[bflag:$0x0] =	sbarrier.arrive $0xFFFF  }
0x43: {  	p0 =	sne.s32 s0, $0x0;
	_ =	strace $0x90000047  }
0x44: {  	s0 =	sadd.s32 @!p0 $0x100000, s1;
	[bflag:$0x2] =	sbarrier.arrive $0xFFFF  }
0x45: {  	[sflag:s0] =	ssyncadd.tile.s32 @!p0 $0x1;
	_ =	shalt  }
.Lfunc_end2:
_tile_overlayer_lowered:
.L_overlay_start_2:
0x46: {  	(tag) =	ssettag $0x2  }
0x47: {  	s0 =	rddreg [dreg:$0x0];
	s2 =	stileid.u32  }
0x48: {  	s1 =	rddreg [dreg:$0x1];
	p0 =	sne.s32 s2, $0x0  }
0x49: {  	s3 =	rddreg [dreg:$0x2];
	[bflag:$0x3] =	sbarrier.arrive $0xFFFF;
	s2 =	simm.s32 @!p0 $0x1C01  }
0x4a: {  	[timem:s3], [sflag:s2] =	dma.local @!p0 [hbm:s0], s1  }
0x4b: {  	s0 =	simm.s32 @!p0 $0x1  }
0x4c: {  	_ =	swait.ge @!p0 [sflag:s0], s1  }
0x4d: {  	s1 =	ssub.s32 @!p0 $0x0, s1;
	[sflag:s0] =	ssyncset.done @!p0 $0x0  }
0x4e: {  	[sflag:s0] =	ssyncadd.s32 @!p0 s1  }
0x4f: {  	[bflag:$0x3] =	sbarrier.arrive $0xFFFF  }
0x50: {  	_ =	shalt  }

</sc_bundles>
